<compile_context>
chip_gen: v7x
topology: tpu7x:2x2x1
jax: 0.10.2.dev20260603
libtpu: 0.0.44.dev20260713+nightly
codegen_flags: <defaults>
</compile_context>

<pallas_src>
import functools

import jax
import jax.numpy as jnp
from jax import lax
from jax.experimental import pallas as pl
from jax.experimental.pallas import tpu as pltpu
from jax.experimental.pallas import tpu_sc as plsc

BINS = 256
N_ELEM = 16 * 3 * 512 * 512

_info = plsc.get_sparse_core_info()
NC, NS, L = _info.num_cores, _info.num_subcores, _info.num_lanes
NW = NC * NS

E_PER_TILE = N_ELEM // NW
CHUNK = 16384
NIT = E_PER_TILE // CHUNK

_HIST_REGION = 2 * L * BINS
_HIST_COPIES = 4
_HIST_WORDS = _HIST_COPIES * _HIST_REGION


def _tile_body(img1, img2, out, a, b, hist0, hist1, hist2, hist3,
               sa0, sa1, sb0, sb1):
    wid = lax.axis_index("s") * NC + lax.axis_index("c")
    base = wid * E_PER_TILE

    sems_a = (sa0, sa1)
    sems_b = (sb0, sb1)

    def start(slot, it):
        @pl.when(it < NIT)
        def _():
            off = base + it * CHUNK
            pltpu.make_async_copy(
                img1.at[pl.ds(off, CHUNK)],
                a.at[pl.ds(slot * CHUNK, CHUNK)], sems_a[slot]).start()
            pltpu.make_async_copy(
                img2.at[pl.ds(off, CHUNK)],
                b.at[pl.ds(slot * CHUNK, CHUNK)], sems_b[slot]).start()

    def wait(slot):
        pltpu.make_async_copy(
            img1.at[pl.ds(0, CHUNK)],
            a.at[pl.ds(slot * CHUNK, CHUNK)], sems_a[slot]).wait()
        pltpu.make_async_copy(
            img2.at[pl.ds(0, CHUNK)],
            b.at[pl.ds(slot * CHUNK, CHUNK)], sems_b[slot]).wait()

    zeros16 = jnp.zeros((L,), jnp.int32)

    def zbody(j, _):
        hist0[pl.ds(j * L, L)] = zeros16
        hist1[pl.ds(j * L, L)] = zeros16
        hist2[pl.ds(j * L, L)] = zeros16
        hist3[pl.ds(j * L, L)] = zeros16
        return 0

    lax.fori_loop(0, _HIST_REGION // L, zbody, 0)

    lane = lax.iota(jnp.int32, L)
    offs = [lane + img * (L * BINS) for img in range(2)]
    hists = (hist0, hist1, hist2, hist3)
    ones = jnp.ones((L,), jnp.int32)
    one_f = jnp.float32(1.0)
    binmask = jnp.int32(0xFF0)

    G = 8

    def process(slot):
        sbase = slot * CHUNK

        @plsc.parallel_loop(0, CHUNK, step=G * L)
        def _(i):
            xa = [a[pl.ds(sbase + i + g * L, L)] for g in range(G)]
            xb = [b[pl.ds(sbase + i + g * L, L)] for g in range(G)]
            ba = [lax.bitcast_convert_type(x + one_f, jnp.int32) for x in xa]
            bb = [lax.bitcast_convert_type(x + one_f, jnp.int32) for x in xb]
            ia = [((t >> 11) & binmask) | offs[0] for t in ba]
            ib = [((t >> 11) & binmask) | offs[1] for t in bb]
            for g, idx in enumerate(ia + ib):
                plsc.addupdate_scatter(hists[g % _HIST_COPIES], [idx], ones)

    start(0, 0)

    def outer(i2, _):
        it0 = i2 * 2
        start(1, it0 + 1)
        wait(0)
        process(0)
        start(0, it0 + 2)
        wait(1)
        process(1)
        return 0

    lax.fori_loop(0, NIT // 2, outer, 0)

    obase = wid * _HIST_WORDS
    for c, h in enumerate(hists):
        pltpu.sync_copy(h, out.at[pl.ds(obase + c * _HIST_REGION, _HIST_REGION)])


_sc_hist = functools.partial(
    pl.kernel,
    out_type=jax.ShapeDtypeStruct((NW * _HIST_WORDS,), jnp.int32),
    mesh=plsc.VectorSubcoreMesh(core_axis_name="c", subcore_axis_name="s"),
    compiler_params=pltpu.CompilerParams(needs_layout_passes=False),
    scratch_types=[
        pltpu.VMEM((2 * CHUNK,), jnp.float32),
        pltpu.VMEM((2 * CHUNK,), jnp.float32),
        pltpu.VMEM((_HIST_REGION,), jnp.int32),
        pltpu.VMEM((_HIST_REGION,), jnp.int32),
        pltpu.VMEM((_HIST_REGION,), jnp.int32),
        pltpu.VMEM((_HIST_REGION,), jnp.int32),
        pltpu.SemaphoreType.DMA,
        pltpu.SemaphoreType.DMA,
        pltpu.SemaphoreType.DMA,
        pltpu.SemaphoreType.DMA,
    ],
)(_tile_body)


def _fin_body(p_ref, o_ref):
    rows = _HIST_WORDS // 128
    p = p_ref[...]
    t = p[0:rows]
    for i in range(1, NW):
        t = t + p[rows * i:rows * (i + 1)]
    q = t[0:64]
    for c in range(1, _HIST_COPIES):
        q = q + t[64 * c:64 * (c + 1)]
    h = q.astype(jnp.float32)
    g = (lax.broadcasted_iota(jnp.int32, (128, 8), 0) // L ==
         lax.broadcasted_iota(jnp.int32, (128, 8), 1)).astype(jnp.float32)
    s = jnp.dot(h, g, preferred_element_type=jnp.float32,
                precision=lax.Precision.HIGHEST)
    h1 = s[:32]
    h2 = s[32:]
    h1 = h1 / jnp.sum(h1)
    h2 = h2 / jnp.sum(h2)
    val = jnp.sum(jnp.abs(h1 - h2)) / jnp.float32(BINS)
    o_ref[...] = jnp.reshape(val, (1, 1))


_tc_finalize = pl.pallas_call(
    _fin_body,
    out_shape=jax.ShapeDtypeStruct((1, 1), jnp.float32),
)


def _flatten_physical(img):
    b, c, h, w = img.shape
    t = img.reshape(b, c, h // 8, 8, w // 128, 128)
    return t.transpose(0, 1, 2, 4, 3, 5).reshape(-1)


def kernel(img1, img2):
    f1 = _flatten_physical(img1)
    f2 = _flatten_physical(img2)
    partial = _sc_hist(f1, f2)
    loss = _tc_finalize(partial.reshape(NW * _HIST_WORDS // 128, 128))
    return loss[0, 0]

# --- scband reference (transcript-rebuilt; emitter-appended) ---
"""Pipeline reference for scband-histogram-loss-83571473646250 (READ-ONLY COPY).

The authoritative reference and input builder live on the scoring server;
editing this copy changes nothing except your own understanding.
"""

import jax, jax.numpy as jnp
import numpy as np

BINS = 256
LO, HI = 0.0, 1.0
NORM = True
REDUCTION = 'mean'


def _histc(x, bins, lo, hi):
    # torch.histc semantics: equal-width bins over [lo, hi]; values outside range ignored;
    # values equal to hi fall in the last bin.
    xf = x.reshape(-1)
    mask = (xf >= lo) & (xf <= hi)
    scale = bins / (hi - lo)
    idx = jnp.floor((xf - lo) * scale).astype(jnp.int32)
    idx = jnp.clip(idx, 0, bins - 1)
    w = jnp.where(mask, 1.0, 0.0).astype(jnp.float32)
    hist = jnp.zeros((bins,), dtype=jnp.float32).at[idx].add(w)
    return hist


def setup_inputs(seed: int = 0) -> dict:
    key = jax.random.key(seed)
    k1, k2 = jax.random.split(key)
    img1 = jax.random.uniform(k1, (16, 3, 512, 512), dtype=jnp.float32)
    img2 = jax.random.uniform(k2, (16, 3, 512, 512), dtype=jnp.float32)
    return {"img1": img1, "img2": img2}


def reference(img1, img2):
    hist1 = _histc(img1, BINS, LO, HI)
    hist2 = _histc(img2, BINS, LO, HI)
    if NORM:
        hist1 = hist1 / jnp.sum(hist1)
        hist2 = hist2 / jnp.sum(hist2)
    loss = jnp.sum(jnp.abs(hist1 - hist2))
    if REDUCTION == 'mean':
        loss = loss / BINS
    elif REDUCTION == 'none':
        loss = jnp.abs(hist1 - hist2)
    return loss

if __name__ == "__main__":
    import jax
    _d = setup_inputs()
    print(jax.jit(kernel)(*tuple(_d.values())))

</pallas_src>

<mosaic_0001>
#map = affine_map<(d0, d1) -> (0)>
module attributes {stable_mosaic.version = 14 : i64} {
  func.func @_tile_body(%arg0: i32, %arg1: i32, %arg2: memref<12582912xf32, #tpu.memory_space<hbm>>, %arg3: memref<12582912xf32, #tpu.memory_space<hbm>>, %arg4: memref<1048576xi32, #tpu.memory_space<hbm>>, %arg5: memref<32768xf32, #tpu.memory_space<vmem>>, %arg6: memref<32768xf32, #tpu.memory_space<vmem>>, %arg7: memref<8192xi32, #tpu.memory_space<vmem>>, %arg8: memref<8192xi32, #tpu.memory_space<vmem>>, %arg9: memref<8192xi32, #tpu.memory_space<vmem>>, %arg10: memref<8192xi32, #tpu.memory_space<vmem>>, %arg11: memref<!tpu.dma_semaphore, #tpu.memory_space<semaphore_mem>>, %arg12: memref<!tpu.dma_semaphore, #tpu.memory_space<semaphore_mem>>, %arg13: memref<!tpu.dma_semaphore, #tpu.memory_space<semaphore_mem>>, %arg14: memref<!tpu.dma_semaphore, #tpu.memory_space<semaphore_mem>>) attributes {dimension_semantics = [#tpu.dimension_semantics<core_parallel>, #tpu.dimension_semantics<subcore_parallel>], iteration_bounds = array<i64: 2, 16>, scalar_prefetch = 0 : i64, scratch_operands = 10 : i64, tpu.core_type = #tpu.core_type<sc_vector_subcore>, window_params = [{transform_indices = #map}, {transform_indices = #map}, {transform_indices = #map}]} {
    %mul3A = arith.constant 2 : i32
    %mul3A_0 = arith.muli %arg1, %mul3A : i32
    %add3A = arith.addi %mul3A_0, %arg0 : i32
    %mul3A_1 = arith.constant 393216 : i32
    %mul3A_2 = arith.muli %add3A, %mul3A_1 : i32
    %broadcast_in_dim3A = arith.constant 0 : i32
    %broadcast_in_dim3A_3 = vector.broadcast %broadcast_in_dim3A : i32 to vector<16xi32>
    %scan3A = arith.constant 0 : i32
    %scan3A_4 = arith.constant 0 : i32
    %scan3A_5 = arith.constant 512 : i32
    %scan3A_6 = arith.addi %scan3A_4, %scan3A_5 : i32
    %scan3A_7 = arith.constant 1 : i32
    %scan3A_8 = scf.for %scan3A_50 = %scan3A_4 to %scan3A_6 step %scan3A_7 iter_args(%scan3A_51 = %scan3A) -> (i32)  : i32 {
      %mul3A_52 = arith.constant 16 : i32
      %mul3A_53 = arith.muli %scan3A_50, %mul3A_52 : i32
      %swap3A = arith.index_cast %mul3A_53 : i32 to index
      %swap3A_54 = tpu.vector_load %arg7[%swap3A] {strides = array<i32>} : memref<8192xi32, #tpu.memory_space<vmem>>, vector<16xi32>,
      tpu.vector_store %arg7[%swap3A], %broadcast_in_dim3A_3 {strides = array<i32>} : memref<8192xi32, #tpu.memory_space<vmem>>, vector<16xi32>,
      %mul3A_55 = arith.constant 16 : i32
      %mul3A_56 = arith.muli %scan3A_50, %mul3A_55 : i32
      %swap3A_57 = arith.index_cast %mul3A_56 : i32 to index
      %swap3A_58 = tpu.vector_load %arg8[%swap3A_57] {strides = array<i32>} : memref<8192xi32, #tpu.memory_space<vmem>>, vector<16xi32>,
      tpu.vector_store %arg8[%swap3A_57], %broadcast_in_dim3A_3 {strides = array<i32>} : memref<8192xi32, #tpu.memory_space<vmem>>, vector<16xi32>,
      %mul3A_59 = arith.constant 16 : i32
      %mul3A_60 = arith.muli %scan3A_50, %mul3A_59 : i32
      %swap3A_61 = arith.index_cast %mul3A_60 : i32 to index
      %swap3A_62 = tpu.vector_load %arg9[%swap3A_61] {strides = array<i32>} : memref<8192xi32, #tpu.memory_space<vmem>>, vector<16xi32>,
      tpu.vector_store %arg9[%swap3A_61], %broadcast_in_dim3A_3 {strides = array<i32>} : memref<8192xi32, #tpu.memory_space<vmem>>, vector<16xi32>,
      %mul3A_63 = arith.constant 16 : i32
      %mul3A_64 = arith.muli %scan3A_50, %mul3A_63 : i32
      %swap3A_65 = arith.index_cast %mul3A_64 : i32 to index
      %swap3A_66 = tpu.vector_load %arg10[%swap3A_65] {strides = array<i32>} : memref<8192xi32, #tpu.memory_space<vmem>>, vector<16xi32>,
      tpu.vector_store %arg10[%swap3A_65], %broadcast_in_dim3A_3 {strides = array<i32>} : memref<8192xi32, #tpu.memory_space<vmem>>, vector<16xi32>,
      %scan3A_67 = arith.constant 0 : i32
      scf.yield %scan3A_67 : i32
    }
    %scan3A_9 = arith.constant 512 : i32
    %iota3A = tpu.iota {dimensions = array<i32: 0>} : vector<16xi32>
    %add3A_10 = arith.constant 0 : i32
    %add3A_11 = vector.broadcast %add3A_10 : i32 to vector<16xi32>
    %add3A_12 = arith.addi %iota3A, %add3A_11 : vector<16xi32>
    %add3A_13 = arith.constant 4096 : i32
    %add3A_14 = vector.broadcast %add3A_13 : i32 to vector<16xi32>
    %add3A_15 = arith.addi %iota3A, %add3A_14 : vector<16xi32>
    %broadcast_in_dim3A_16 = arith.constant 1 : i32
    %broadcast_in_dim3A_17 = vector.broadcast %broadcast_in_dim3A_16 : i32 to vector<16xi32>
    %add3A_18 = arith.constant 0 : i32
    %add3A_19 = arith.addi %mul3A_2, %add3A_18 : i32
    %dma_start3A = arith.constant 0 : i32
    %dma_start3A_20 = tpu.memref_slice %arg5[%dma_start3A] : memref<32768xf32, #tpu.memory_space<vmem>> -> memref<16384xf32, #tpu.memory_space<vmem>>
    %dma_start3A_21 = tpu.memref_slice %arg2[%add3A_19] : memref<12582912xf32, #tpu.memory_space<hbm>> -> memref<16384xf32, #tpu.memory_space<hbm>>
    %dma_start3A_22 = arith.constant 0 : i32
    %dma_start3A_23 = tpu.memref_slice %arg5[%dma_start3A_22] : memref<32768xf32, #tpu.memory_space<vmem>> -> memref<16384xf32, #tpu.memory_space<vmem>>
    %dma_start3A_24 = tpu.memref_slice %arg2[%add3A_19] : memref<12582912xf32, #tpu.memory_space<hbm>> -> memref<16384xf32, #tpu.memory_space<hbm>>
    tpu.enqueue_dma source(%dma_start3A_24 : memref<16384xf32, #tpu.memory_space<hbm>>) target(%dma_start3A_23 : memref<16384xf32, #tpu.memory_space<vmem>>) target_semaphore(%arg11 : memref<!tpu.dma_semaphore, #tpu.memory_space<semaphore_mem>>)
    %dma_start3A_25 = arith.constant 0 : i32
    %dma_start3A_26 = tpu.memref_slice %arg6[%dma_start3A_25] : memref<32768xf32, #tpu.memory_space<vmem>> -> memref<16384xf32, #tpu.memory_space<vmem>>
    %dma_start3A_27 = tpu.memref_slice %arg3[%add3A_19] : memref<12582912xf32, #tpu.memory_space<hbm>> -> memref<16384xf32, #tpu.memory_space<hbm>>
    %dma_start3A_28 = arith.constant 0 : i32
    %dma_start3A_29 = tpu.memref_slice %arg6[%dma_start3A_28] : memref<32768xf32, #tpu.memory_space<vmem>> -> memref<16384xf32, #tpu.memory_space<vmem>>
    %dma_start3A_30 = tpu.memref_slice %arg3[%add3A_19] : memref<12582912xf32, #tpu.memory_space<hbm>> -> memref<16384xf32, #tpu.memory_space<hbm>>
    tpu.enqueue_dma source(%dma_start3A_30 : memref<16384xf32, #tpu.memory_space<hbm>>) target(%dma_start3A_29 : memref<16384xf32, #tpu.memory_space<vmem>>) target_semaphore(%arg13 : memref<!tpu.dma_semaphore, #tpu.memory_space<semaphore_mem>>)
    %scan3A_31 = arith.constant 1.000000e+00 : f32
    %scan3A_32 = arith.constant 4080 : i32
    %scan3A_33 = arith.constant 0 : i32
    %scan3A_34 = arith.constant 0 : i32
    %scan3A_35 = arith.constant 12 : i32
    %scan3A_36 = arith.addi %scan3A_34, %scan3A_35 : i32
    %scan3A_37 = arith.constant 1 : i32
    %scan3A_38 = scf.for %scan3A_50 = %scan3A_34 to %scan3A_36 step %scan3A_37 iter_args(%scan3A_51 = %scan3A_33) -> (i32)  : i32 {
      %mul3A_52 = arith.constant 2 : i32
      %mul3A_53 = arith.muli %scan3A_50, %mul3A_52 : i32
      %add3A_54 = arith.constant 1 : i32
      %add3A_55 = arith.addi %mul3A_53, %add3A_54 : i32
      %lt3A = arith.constant 24 : i32
      %lt3A_56 = arith.cmpi slt, %add3A_55, %lt3A : i32
      %convert_element_type3A = arith.extui %lt3A_56 : i1 to i32
      %cond3A = arith.constant 0 : i32
      %cond3A_57 = arith.cmpi ne, %convert_element_type3A, %cond3A : i32
      scf.if %cond3A_57 {
        %mul3A_102 = arith.constant 16384 : i32
        %mul3A_103 = arith.muli %add3A_55, %mul3A_102 : i32
        %add3A_104 = arith.addi %mul3A_2, %mul3A_103 : i32
        %dma_start3A_105 = arith.constant 16384 : i32
        %dma_start3A_106 = tpu.memref_slice %arg5[%dma_start3A_105] : memref<32768xf32, #tpu.memory_space<vmem>> -> memref<16384xf32, #tpu.memory_space<vmem>>
        %dma_start3A_107 = tpu.memref_slice %arg2[%add3A_104] : memref<12582912xf32, #tpu.memory_space<hbm>> -> memref<16384xf32, #tpu.memory_space<hbm>>
        %dma_start3A_108 = arith.constant 16384 : i32
        %dma_start3A_109 = tpu.memref_slice %arg5[%dma_start3A_108] : memref<32768xf32, #tpu.memory_space<vmem>> -> memref<16384xf32, #tpu.memory_space<vmem>>
        %dma_start3A_110 = tpu.memref_slice %arg2[%add3A_104] : memref<12582912xf32, #tpu.memory_space<hbm>> -> memref<16384xf32, #tpu.memory_space<hbm>>
        tpu.enqueue_dma source(%dma_start3A_110 : memref<16384xf32, #tpu.memory_space<hbm>>) target(%dma_start3A_109 : memref<16384xf32, #tpu.memory_space<vmem>>) target_semaphore(%arg12 : memref<!tpu.dma_semaphore, #tpu.memory_space<semaphore_mem>>)
        %dma_start3A_111 = arith.constant 16384 : i32
        %dma_start3A_112 = tpu.memref_slice %arg6[%dma_start3A_111] : memref<32768xf32, #tpu.memory_space<vmem>> -> memref<16384xf32, #tpu.memory_space<vmem>>
        %dma_start3A_113 = tpu.memref_slice %arg3[%add3A_104] : memref<12582912xf32, #tpu.memory_space<hbm>> -> memref<16384xf32, #tpu.memory_space<hbm>>
        %dma_start3A_114 = arith.constant 16384 : i32
        %dma_start3A_115 = tpu.memref_slice %arg6[%dma_start3A_114] : memref<32768xf32, #tpu.memory_space<vmem>> -> memref<16384xf32, #tpu.memory_space<vmem>>
        %dma_start3A_116 = tpu.memref_slice %arg3[%add3A_104] : memref<12582912xf32, #tpu.memory_space<hbm>> -> memref<16384xf32, #tpu.memory_space<hbm>>
        tpu.enqueue_dma source(%dma_start3A_116 : memref<16384xf32, #tpu.memory_space<hbm>>) target(%dma_start3A_115 : memref<16384xf32, #tpu.memory_space<vmem>>) target_semaphore(%arg14 : memref<!tpu.dma_semaphore, #tpu.memory_space<semaphore_mem>>)
      } else {
      }
      %dma_wait3A = arith.constant 0 : i32
      %dma_wait3A_58 = tpu.memref_slice %arg5[%dma_wait3A] : memref<32768xf32, #tpu.memory_space<vmem>> -> memref<16384xf32, #tpu.memory_space<vmem>>
      %dma_wait3A_59 = arith.constant 0 : i32
      %dma_wait3A_60 = tpu.memref_slice %arg2[%dma_wait3A_59] : memref<12582912xf32, #tpu.memory_space<hbm>> -> memref<16384xf32, #tpu.memory_space<hbm>>
      %dma_wait3A_61 = arith.constant 0 : i32
      %dma_wait3A_62 = tpu.memref_slice %arg5[%dma_wait3A_61] : memref<32768xf32, #tpu.memory_space<vmem>> -> memref<16384xf32, #tpu.memory_space<vmem>>
      %dma_wait3A_63 = arith.constant 0 : i32
      %dma_wait3A_64 = tpu.memref_slice %arg2[%dma_wait3A_63] : memref<12582912xf32, #tpu.memory_space<hbm>> -> memref<16384xf32, #tpu.memory_space<hbm>>
      tpu.wait_dma2 semaphore(%arg11 : memref<!tpu.dma_semaphore, #tpu.memory_space<semaphore_mem>>) src(%dma_wait3A_64 : memref<16384xf32, #tpu.memory_space<hbm>>) dst(%dma_wait3A_62 : memref<16384xf32, #tpu.memory_space<vmem>>)
      %dma_wait3A_65 = arith.constant 0 : i32
      %dma_wait3A_66 = tpu.memref_slice %arg6[%dma_wait3A_65] : memref<32768xf32, #tpu.memory_space<vmem>> -> memref<16384xf32, #tpu.memory_space<vmem>>
      %dma_wait3A_67 = arith.constant 0 : i32
      %dma_wait3A_68 = tpu.memref_slice %arg3[%dma_wait3A_67] : memref<12582912xf32, #tpu.memory_space<hbm>> -> memref<16384xf32, #tpu.memory_space<hbm>>
      %dma_wait3A_69 = arith.constant 0 : i32
      %dma_wait3A_70 = tpu.memref_slice %arg6[%dma_wait3A_69] : memref<32768xf32, #tpu.memory_space<vmem>> -> memref<16384xf32, #tpu.memory_space<vmem>>
      %dma_wait3A_71 = arith.constant 0 : i32
      %dma_wait3A_72 = tpu.memref_slice %arg3[%dma_wait3A_71] : memref<12582912xf32, #tpu.memory_space<hbm>> -> memref<16384xf32, #tpu.memory_space<hbm>>
      tpu.wait_dma2 semaphore(%arg13 : memref<!tpu.dma_semaphore, #tpu.memory_space<semaphore_mem>>) src(%dma_wait3A_72 : memref<16384xf32, #tpu.memory_space<hbm>>) dst(%dma_wait3A_70 : memref<16384xf32, #tpu.memory_space<vmem>>)
      %parallel_loop3A = arith.constant 0 : i32
      %parallel_loop3A_73 = arith.constant 16384 : i32
      %parallel_loop3A_74 = arith.constant 128 : i32
      scf.for %parallel_loop3A_102 = %parallel_loop3A to %parallel_loop3A_73 step %parallel_loop3A_74  : i32 {
        %parallel_loop3A_103 = arith.constant 0 : i32
        %parallel_loop3A_104 = arith.addi %parallel_loop3A_103, %parallel_loop3A_102 : i32
        %parallel_loop3A_105 = arith.constant 0 : i32
        %parallel_loop3A_106 = arith.addi %parallel_loop3A_104, %parallel_loop3A_105 : i32
        %parallel_loop3A_107 = arith.index_cast %parallel_loop3A_106 : i32 to index
        %parallel_loop3A_108 = tpu.vector_load %arg5[%parallel_loop3A_107] {strides = array<i32>} : memref<32768xf32, #tpu.memory_space<vmem>>, vector<16xf32>,
        %parallel_loop3A_109 = arith.constant 0 : i32
        %parallel_loop3A_110 = arith.addi %parallel_loop3A_109, %parallel_loop3A_102 : i32
        %parallel_loop3A_111 = arith.constant 16 : i32
        %parallel_loop3A_112 = arith.addi %parallel_loop3A_110, %parallel_loop3A_111 : i32
        %parallel_loop3A_113 = arith.index_cast %parallel_loop3A_112 : i32 to index
        %parallel_loop3A_114 = tpu.vector_load %arg5[%parallel_loop3A_113] {strides = array<i32>} : memref<32768xf32, #tpu.memory_space<vmem>>, vector<16xf32>,
        %parallel_loop3A_115 = arith.constant 0 : i32
        %parallel_loop3A_116 = arith.addi %parallel_loop3A_115, %parallel_loop3A_102 : i32
        %parallel_loop3A_117 = arith.constant 32 : i32
        %parallel_loop3A_118 = arith.addi %parallel_loop3A_116, %parallel_loop3A_117 : i32
        %parallel_loop3A_119 = arith.index_cast %parallel_loop3A_118 : i32 to index
        %parallel_loop3A_120 = tpu.vector_load %arg5[%parallel_loop3A_119] {strides = array<i32>} : memref<32768xf32, #tpu.memory_space<vmem>>, vector<16xf32>,
        %parallel_loop3A_121 = arith.constant 0 : i32
        %parallel_loop3A_122 = arith.addi %parallel_loop3A_121, %parallel_loop3A_102 : i32
        %parallel_loop3A_123 = arith.constant 48 : i32
        %parallel_loop3A_124 = arith.addi %parallel_loop3A_122, %parallel_loop3A_123 : i32
        %parallel_loop3A_125 = arith.index_cast %parallel_loop3A_124 : i32 to index
        %parallel_loop3A_126 = tpu.vector_load %arg5[%parallel_loop3A_125] {strides = array<i32>} : memref<32768xf32, #tpu.memory_space<vmem>>, vector<16xf32>,
        %parallel_loop3A_127 = arith.constant 0 : i32
        %parallel_loop3A_128 = arith.addi %parallel_loop3A_127, %parallel_loop3A_102 : i32
        %parallel_loop3A_129 = arith.constant 64 : i32
        %parallel_loop3A_130 = arith.addi %parallel_loop3A_128, %parallel_loop3A_129 : i32
        %parallel_loop3A_131 = arith.index_cast %parallel_loop3A_130 : i32 to index
        %parallel_loop3A_132 = tpu.vector_load %arg5[%parallel_loop3A_131] {strides = array<i32>} : memref<32768xf32, #tpu.memory_space<vmem>>, vector<16xf32>,
        %parallel_loop3A_133 = arith.constant 0 : i32
        %parallel_loop3A_134 = arith.addi %parallel_loop3A_133, %parallel_loop3A_102 : i32
        %parallel_loop3A_135 = arith.constant 80 : i32
        %parallel_loop3A_136 = arith.addi %parallel_loop3A_134, %parallel_loop3A_135 : i32
        %parallel_loop3A_137 = arith.index_cast %parallel_loop3A_136 : i32 to index
        %parallel_loop3A_138 = tpu.vector_load %arg5[%parallel_loop3A_137] {strides = array<i32>} : memref<32768xf32, #tpu.memory_space<vmem>>, vector<16xf32>,
        %parallel_loop3A_139 = arith.constant 0 : i32
        %parallel_loop3A_140 = arith.addi %parallel_loop3A_139, %parallel_loop3A_102 : i32
        %parallel_loop3A_141 = arith.constant 96 : i32
        %parallel_loop3A_142 = arith.addi %parallel_loop3A_140, %parallel_loop3A_141 : i32
        %parallel_loop3A_143 = arith.index_cast %parallel_loop3A_142 : i32 to index
        %parallel_loop3A_144 = tpu.vector_load %arg5[%parallel_loop3A_143] {strides = array<i32>} : memref<32768xf32, #tpu.memory_space<vmem>>, vector<16xf32>,
        %parallel_loop3A_145 = arith.constant 0 : i32
        %parallel_loop3A_146 = arith.addi %parallel_loop3A_145, %parallel_loop3A_102 : i32
        %parallel_loop3A_147 = arith.constant 112 : i32
        %parallel_loop3A_148 = arith.addi %parallel_loop3A_146, %parallel_loop3A_147 : i32
        %parallel_loop3A_149 = arith.index_cast %parallel_loop3A_148 : i32 to index
        %parallel_loop3A_150 = tpu.vector_load %arg5[%parallel_loop3A_149] {strides = array<i32>} : memref<32768xf32, #tpu.memory_space<vmem>>, vector<16xf32>,
        %parallel_loop3A_151 = arith.constant 0 : i32
        %parallel_loop3A_152 = arith.addi %parallel_loop3A_151, %parallel_loop3A_102 : i32
        %parallel_loop3A_153 = arith.constant 0 : i32
        %parallel_loop3A_154 = arith.addi %parallel_loop3A_152, %parallel_loop3A_153 : i32
        %parallel_loop3A_155 = arith.index_cast %parallel_loop3A_154 : i32 to index
        %parallel_loop3A_156 = tpu.vector_load %arg6[%parallel_loop3A_155] {strides = array<i32>} : memref<32768xf32, #tpu.memory_space<vmem>>, vector<16xf32>,
        %parallel_loop3A_157 = arith.constant 0 : i32
        %parallel_loop3A_158 = arith.addi %parallel_loop3A_157, %parallel_loop3A_102 : i32
        %parallel_loop3A_159 = arith.constant 16 : i32
        %parallel_loop3A_160 = arith.addi %parallel_loop3A_158, %parallel_loop3A_159 : i32
        %parallel_loop3A_161 = arith.index_cast %parallel_loop3A_160 : i32 to index
        %parallel_loop3A_162 = tpu.vector_load %arg6[%parallel_loop3A_161] {strides = array<i32>} : memref<32768xf32, #tpu.memory_space<vmem>>, vector<16xf32>,
        %parallel_loop3A_163 = arith.constant 0 : i32
        %parallel_loop3A_164 = arith.addi %parallel_loop3A_163, %parallel_loop3A_102 : i32
        %parallel_loop3A_165 = arith.constant 32 : i32
        %parallel_loop3A_166 = arith.addi %parallel_loop3A_164, %parallel_loop3A_165 : i32
        %parallel_loop3A_167 = arith.index_cast %parallel_loop3A_166 : i32 to index
        %parallel_loop3A_168 = tpu.vector_load %arg6[%parallel_loop3A_167] {strides = array<i32>} : memref<32768xf32, #tpu.memory_space<vmem>>, vector<16xf32>,
        %parallel_loop3A_169 = arith.constant 0 : i32
        %parallel_loop3A_170 = arith.addi %parallel_loop3A_169, %parallel_loop3A_102 : i32
        %parallel_loop3A_171 = arith.constant 48 : i32
        %parallel_loop3A_172 = arith.addi %parallel_loop3A_170, %parallel_loop3A_171 : i32
        %parallel_loop3A_173 = arith.index_cast %parallel_loop3A_172 : i32 to index
        %parallel_loop3A_174 = tpu.vector_load %arg6[%parallel_loop3A_173] {strides = array<i32>} : memref<32768xf32, #tpu.memory_space<vmem>>, vector<16xf32>,
        %parallel_loop3A_175 = arith.constant 0 : i32
        %parallel_loop3A_176 = arith.addi %parallel_loop3A_175, %parallel_loop3A_102 : i32
        %parallel_loop3A_177 = arith.constant 64 : i32
        %parallel_loop3A_178 = arith.addi %parallel_loop3A_176, %parallel_loop3A_177 : i32
        %parallel_loop3A_179 = arith.index_cast %parallel_loop3A_178 : i32 to index
        %parallel_loop3A_180 = tpu.vector_load %arg6[%parallel_loop3A_179] {strides = array<i32>} : memref<32768xf32, #tpu.memory_space<vmem>>, vector<16xf32>,
        %parallel_loop3A_181 = arith.constant 0 : i32
        %parallel_loop3A_182 = arith.addi %parallel_loop3A_181, %parallel_loop3A_102 : i32
        %parallel_loop3A_183 = arith.constant 80 : i32
        %parallel_loop3A_184 = arith.addi %parallel_loop3A_182, %parallel_loop3A_183 : i32
        %parallel_loop3A_185 = arith.index_cast %parallel_loop3A_184 : i32 to index
        %parallel_loop3A_186 = tpu.vector_load %arg6[%parallel_loop3A_185] {strides = array<i32>} : memref<32768xf32, #tpu.memory_space<vmem>>, vector<16xf32>,
        %parallel_loop3A_187 = arith.constant 0 : i32
        %parallel_loop3A_188 = arith.addi %parallel_loop3A_187, %parallel_loop3A_102 : i32
        %parallel_loop3A_189 = arith.constant 96 : i32
        %parallel_loop3A_190 = arith.addi %parallel_loop3A_188, %parallel_loop3A_189 : i32
        %parallel_loop3A_191 = arith.index_cast %parallel_loop3A_190 : i32 to index
        %parallel_loop3A_192 = tpu.vector_load %arg6[%parallel_loop3A_191] {strides = array<i32>} : memref<32768xf32, #tpu.memory_space<vmem>>, vector<16xf32>,
        %parallel_loop3A_193 = arith.constant 0 : i32
        %parallel_loop3A_194 = arith.addi %parallel_loop3A_193, %parallel_loop3A_102 : i32
        %parallel_loop3A_195 = arith.constant 112 : i32
        %parallel_loop3A_196 = arith.addi %parallel_loop3A_194, %parallel_loop3A_195 : i32
        %parallel_loop3A_197 = arith.index_cast %parallel_loop3A_196 : i32 to index
        %parallel_loop3A_198 = tpu.vector_load %arg6[%parallel_loop3A_197] {strides = array<i32>} : memref<32768xf32, #tpu.memory_space<vmem>>, vector<16xf32>,
        %parallel_loop3A_199 = vector.broadcast %scan3A_31 : f32 to vector<16xf32>
        %parallel_loop3A_200 = arith.addf %parallel_loop3A_108, %parallel_loop3A_199 : vector<16xf32>
        %parallel_loop3A_201 = tpu.bitcast %parallel_loop3A_200 : vector<16xf32> -> vector<16xi32>
        %parallel_loop3A_202 = vector.broadcast %scan3A_31 : f32 to vector<16xf32>
        %parallel_loop3A_203 = arith.addf %parallel_loop3A_114, %parallel_loop3A_202 : vector<16xf32>
        %parallel_loop3A_204 = tpu.bitcast %parallel_loop3A_203 : vector<16xf32> -> vector<16xi32>
        %parallel_loop3A_205 = vector.broadcast %scan3A_31 : f32 to vector<16xf32>
        %parallel_loop3A_206 = arith.addf %parallel_loop3A_120, %parallel_loop3A_205 : vector<16xf32>
        %parallel_loop3A_207 = tpu.bitcast %parallel_loop3A_206 : vector<16xf32> -> vector<16xi32>
        %parallel_loop3A_208 = vector.broadcast %scan3A_31 : f32 to vector<16xf32>
        %parallel_loop3A_209 = arith.addf %parallel_loop3A_126, %parallel_loop3A_208 : vector<16xf32>
        %parallel_loop3A_210 = tpu.bitcast %parallel_loop3A_209 : vector<16xf32> -> vector<16xi32>
        %parallel_loop3A_211 = vector.broadcast %scan3A_31 : f32 to vector<16xf32>
        %parallel_loop3A_212 = arith.addf %parallel_loop3A_132, %parallel_loop3A_211 : vector<16xf32>
        %parallel_loop3A_213 = tpu.bitcast %parallel_loop3A_212 : vector<16xf32> -> vector<16xi32>
        %parallel_loop3A_214 = vector.broadcast %scan3A_31 : f32 to vector<16xf32>
        %parallel_loop3A_215 = arith.addf %parallel_loop3A_138, %parallel_loop3A_214 : vector<16xf32>
        %parallel_loop3A_216 = tpu.bitcast %parallel_loop3A_215 : vector<16xf32> -> vector<16xi32>
        %parallel_loop3A_217 = vector.broadcast %scan3A_31 : f32 to vector<16xf32>
        %parallel_loop3A_218 = arith.addf %parallel_loop3A_144, %parallel_loop3A_217 : vector<16xf32>
        %parallel_loop3A_219 = tpu.bitcast %parallel_loop3A_218 : vector<16xf32> -> vector<16xi32>
        %parallel_loop3A_220 = vector.broadcast %scan3A_31 : f32 to vector<16xf32>
        %parallel_loop3A_221 = arith.addf %parallel_loop3A_150, %parallel_loop3A_220 : vector<16xf32>
        %parallel_loop3A_222 = tpu.bitcast %parallel_loop3A_221 : vector<16xf32> -> vector<16xi32>
        %parallel_loop3A_223 = vector.broadcast %scan3A_31 : f32 to vector<16xf32>
        %parallel_loop3A_224 = arith.addf %parallel_loop3A_156, %parallel_loop3A_223 : vector<16xf32>
        %parallel_loop3A_225 = tpu.bitcast %parallel_loop3A_224 : vector<16xf32> -> vector<16xi32>
        %parallel_loop3A_226 = vector.broadcast %scan3A_31 : f32 to vector<16xf32>
        %parallel_loop3A_227 = arith.addf %parallel_loop3A_162, %parallel_loop3A_226 : vector<16xf32>
        %parallel_loop3A_228 = tpu.bitcast %parallel_loop3A_227 : vector<16xf32> -> vector<16xi32>
        %parallel_loop3A_229 = vector.broadcast %scan3A_31 : f32 to vector<16xf32>
        %parallel_loop3A_230 = arith.addf %parallel_loop3A_168, %parallel_loop3A_229 : vector<16xf32>
        %parallel_loop3A_231 = tpu.bitcast %parallel_loop3A_230 : vector<16xf32> -> vector<16xi32>
        %parallel_loop3A_232 = vector.broadcast %scan3A_31 : f32 to vector<16xf32>
        %parallel_loop3A_233 = arith.addf %parallel_loop3A_174, %parallel_loop3A_232 : vector<16xf32>
        %parallel_loop3A_234 = tpu.bitcast %parallel_loop3A_233 : vector<16xf32> -> vector<16xi32>
        %parallel_loop3A_235 = vector.broadcast %scan3A_31 : f32 to vector<16xf32>
        %parallel_loop3A_236 = arith.addf %parallel_loop3A_180, %parallel_loop3A_235 : vector<16xf32>
        %parallel_loop3A_237 = tpu.bitcast %parallel_loop3A_236 : vector<16xf32> -> vector<16xi32>
        %parallel_loop3A_238 = vector.broadcast %scan3A_31 : f32 to vector<16xf32>
        %parallel_loop3A_239 = arith.addf %parallel_loop3A_186, %parallel_loop3A_238 : vector<16xf32>
        %parallel_loop3A_240 = tpu.bitcast %parallel_loop3A_239 : vector<16xf32> -> vector<16xi32>
        %parallel_loop3A_241 = vector.broadcast %scan3A_31 : f32 to vector<16xf32>
        %parallel_loop3A_242 = arith.addf %parallel_loop3A_192, %parallel_loop3A_241 : vector<16xf32>
        %parallel_loop3A_243 = tpu.bitcast %parallel_loop3A_242 : vector<16xf32> -> vector<16xi32>
        %parallel_loop3A_244 = vector.broadcast %scan3A_31 : f32 to vector<16xf32>
        %parallel_loop3A_245 = arith.addf %parallel_loop3A_198, %parallel_loop3A_244 : vector<16xf32>
        %parallel_loop3A_246 = tpu.bitcast %parallel_loop3A_245 : vector<16xf32> -> vector<16xi32>
        %parallel_loop3A_247 = arith.constant 11 : i32
        %parallel_loop3A_248 = vector.broadcast %parallel_loop3A_247 : i32 to vector<16xi32>
        %parallel_loop3A_249 = arith.shrsi %parallel_loop3A_201, %parallel_loop3A_248 : vector<16xi32>
        %parallel_loop3A_250 = vector.broadcast %scan3A_32 : i32 to vector<16xi32>
        %parallel_loop3A_251 = arith.andi %parallel_loop3A_249, %parallel_loop3A_250 : vector<16xi32>
        %parallel_loop3A_252 = arith.ori %parallel_loop3A_251, %add3A_12 : vector<16xi32>
        %parallel_loop3A_253 = arith.constant 11 : i32
        %parallel_loop3A_254 = vector.broadcast %parallel_loop3A_253 : i32 to vector<16xi32>
        %parallel_loop3A_255 = arith.shrsi %parallel_loop3A_204, %parallel_loop3A_254 : vector<16xi32>
        %parallel_loop3A_256 = vector.broadcast %scan3A_32 : i32 to vector<16xi32>
        %parallel_loop3A_257 = arith.andi %parallel_loop3A_255, %parallel_loop3A_256 : vector<16xi32>
        %parallel_loop3A_258 = arith.ori %parallel_loop3A_257, %add3A_12 : vector<16xi32>
        %parallel_loop3A_259 = arith.constant 11 : i32
        %parallel_loop3A_260 = vector.broadcast %parallel_loop3A_259 : i32 to vector<16xi32>
        %parallel_loop3A_261 = arith.shrsi %parallel_loop3A_207, %parallel_loop3A_260 : vector<16xi32>
        %parallel_loop3A_262 = vector.broadcast %scan3A_32 : i32 to vector<16xi32>
        %parallel_loop3A_263 = arith.andi %parallel_loop3A_261, %parallel_loop3A_262 : vector<16xi32>
        %parallel_loop3A_264 = arith.ori %parallel_loop3A_263, %add3A_12 : vector<16xi32>
        %parallel_loop3A_265 = arith.constant 11 : i32
        %parallel_loop3A_266 = vector.broadcast %parallel_loop3A_265 : i32 to vector<16xi32>
        %parallel_loop3A_267 = arith.shrsi %parallel_loop3A_210, %parallel_loop3A_266 : vector<16xi32>
        %parallel_loop3A_268 = vector.broadcast %scan3A_32 : i32 to vector<16xi32>
        %parallel_loop3A_269 = arith.andi %parallel_loop3A_267, %parallel_loop3A_268 : vector<16xi32>
        %parallel_loop3A_270 = arith.ori %parallel_loop3A_269, %add3A_12 : vector<16xi32>
        %parallel_loop3A_271 = arith.constant 11 : i32
        %parallel_loop3A_272 = vector.broadcast %parallel_loop3A_271 : i32 to vector<16xi32>
        %parallel_loop3A_273 = arith.shrsi %parallel_loop3A_213, %parallel_loop3A_272 : vector<16xi32>
        %parallel_loop3A_274 = vector.broadcast %scan3A_32 : i32 to vector<16xi32>
        %parallel_loop3A_275 = arith.andi %parallel_loop3A_273, %parallel_loop3A_274 : vector<16xi32>
        %parallel_loop3A_276 = arith.ori %parallel_loop3A_275, %add3A_12 : vector<16xi32>
        %parallel_loop3A_277 = arith.constant 11 : i32
        %parallel_loop3A_278 = vector.broadcast %parallel_loop3A_277 : i32 to vector<16xi32>
        %parallel_loop3A_279 = arith.shrsi %parallel_loop3A_216, %parallel_loop3A_278 : vector<16xi32>
        %parallel_loop3A_280 = vector.broadcast %scan3A_32 : i32 to vector<16xi32>
        %parallel_loop3A_281 = arith.andi %parallel_loop3A_279, %parallel_loop3A_280 : vector<16xi32>
        %parallel_loop3A_282 = arith.ori %parallel_loop3A_281, %add3A_12 : vector<16xi32>
        %parallel_loop3A_283 = arith.constant 11 : i32
        %parallel_loop3A_284 = vector.broadcast %parallel_loop3A_283 : i32 to vector<16xi32>
        %parallel_loop3A_285 = arith.shrsi %parallel_loop3A_219, %parallel_loop3A_284 : vector<16xi32>
        %parallel_loop3A_286 = vector.broadcast %scan3A_32 : i32 to vector<16xi32>
        %parallel_loop3A_287 = arith.andi %parallel_loop3A_285, %parallel_loop3A_286 : vector<16xi32>
        %parallel_loop3A_288 = arith.ori %parallel_loop3A_287, %add3A_12 : vector<16xi32>
        %parallel_loop3A_289 = arith.constant 11 : i32
        %parallel_loop3A_290 = vector.broadcast %parallel_loop3A_289 : i32 to vector<16xi32>
        %parallel_loop3A_291 = arith.shrsi %parallel_loop3A_222, %parallel_loop3A_290 : vector<16xi32>
        %parallel_loop3A_292 = vector.broadcast %scan3A_32 : i32 to vector<16xi32>
        %parallel_loop3A_293 = arith.andi %parallel_loop3A_291, %parallel_loop3A_292 : vector<16xi32>
        %parallel_loop3A_294 = arith.ori %parallel_loop3A_293, %add3A_12 : vector<16xi32>
        %parallel_loop3A_295 = arith.constant 11 : i32
        %parallel_loop3A_296 = vector.broadcast %parallel_loop3A_295 : i32 to vector<16xi32>
        %parallel_loop3A_297 = arith.shrsi %parallel_loop3A_225, %parallel_loop3A_296 : vector<16xi32>
        %parallel_loop3A_298 = vector.broadcast %scan3A_32 : i32 to vector<16xi32>
        %parallel_loop3A_299 = arith.andi %parallel_loop3A_297, %parallel_loop3A_298 : vector<16xi32>
        %parallel_loop3A_300 = arith.ori %parallel_loop3A_299, %add3A_15 : vector<16xi32>
        %parallel_loop3A_301 = arith.constant 11 : i32
        %parallel_loop3A_302 = vector.broadcast %parallel_loop3A_301 : i32 to vector<16xi32>
        %parallel_loop3A_303 = arith.shrsi %parallel_loop3A_228, %parallel_loop3A_302 : vector<16xi32>
        %parallel_loop3A_304 = vector.broadcast %scan3A_32 : i32 to vector<16xi32>
        %parallel_loop3A_305 = arith.andi %parallel_loop3A_303, %parallel_loop3A_304 : vector<16xi32>
        %parallel_loop3A_306 = arith.ori %parallel_loop3A_305, %add3A_15 : vector<16xi32>
        %parallel_loop3A_307 = arith.constant 11 : i32
        %parallel_loop3A_308 = vector.broadcast %parallel_loop3A_307 : i32 to vector<16xi32>
        %parallel_loop3A_309 = arith.shrsi %parallel_loop3A_231, %parallel_loop3A_308 : vector<16xi32>
        %parallel_loop3A_310 = vector.broadcast %scan3A_32 : i32 to vector<16xi32>
        %parallel_loop3A_311 = arith.andi %parallel_loop3A_309, %parallel_loop3A_310 : vector<16xi32>
        %parallel_loop3A_312 = arith.ori %parallel_loop3A_311, %add3A_15 : vector<16xi32>
        %parallel_loop3A_313 = arith.constant 11 : i32
        %parallel_loop3A_314 = vector.broadcast %parallel_loop3A_313 : i32 to vector<16xi32>
        %parallel_loop3A_315 = arith.shrsi %parallel_loop3A_234, %parallel_loop3A_314 : vector<16xi32>
        %parallel_loop3A_316 = vector.broadcast %scan3A_32 : i32 to vector<16xi32>
        %parallel_loop3A_317 = arith.andi %parallel_loop3A_315, %parallel_loop3A_316 : vector<16xi32>
        %parallel_loop3A_318 = arith.ori %parallel_loop3A_317, %add3A_15 : vector<16xi32>
        %parallel_loop3A_319 = arith.constant 11 : i32
        %parallel_loop3A_320 = vector.broadcast %parallel_loop3A_319 : i32 to vector<16xi32>
        %parallel_loop3A_321 = arith.shrsi %parallel_loop3A_237, %parallel_loop3A_320 : vector<16xi32>
        %parallel_loop3A_322 = vector.broadcast %scan3A_32 : i32 to vector<16xi32>
        %parallel_loop3A_323 = arith.andi %parallel_loop3A_321, %parallel_loop3A_322 : vector<16xi32>
        %parallel_loop3A_324 = arith.ori %parallel_loop3A_323, %add3A_15 : vector<16xi32>
        %parallel_loop3A_325 = arith.constant 11 : i32
        %parallel_loop3A_326 = vector.broadcast %parallel_loop3A_325 : i32 to vector<16xi32>
        %parallel_loop3A_327 = arith.shrsi %parallel_loop3A_240, %parallel_loop3A_326 : vector<16xi32>
        %parallel_loop3A_328 = vector.broadcast %scan3A_32 : i32 to vector<16xi32>
        %parallel_loop3A_329 = arith.andi %parallel_loop3A_327, %parallel_loop3A_328 : vector<16xi32>
        %parallel_loop3A_330 = arith.ori %parallel_loop3A_329, %add3A_15 : vector<16xi32>
        %parallel_loop3A_331 = arith.constant 11 : i32
        %parallel_loop3A_332 = vector.broadcast %parallel_loop3A_331 : i32 to vector<16xi32>
        %parallel_loop3A_333 = arith.shrsi %parallel_loop3A_243, %parallel_loop3A_332 : vector<16xi32>
        %parallel_loop3A_334 = vector.broadcast %scan3A_32 : i32 to vector<16xi32>
        %parallel_loop3A_335 = arith.andi %parallel_loop3A_333, %parallel_loop3A_334 : vector<16xi32>
        %parallel_loop3A_336 = arith.ori %parallel_loop3A_335, %add3A_15 : vector<16xi32>
        %parallel_loop3A_337 = arith.constant 11 : i32
        %parallel_loop3A_338 = vector.broadcast %parallel_loop3A_337 : i32 to vector<16xi32>
        %parallel_loop3A_339 = arith.shrsi %parallel_loop3A_246, %parallel_loop3A_338 : vector<16xi32>
        %parallel_loop3A_340 = vector.broadcast %scan3A_32 : i32 to vector<16xi32>
        %parallel_loop3A_341 = arith.andi %parallel_loop3A_339, %parallel_loop3A_340 : vector<16xi32>
        %parallel_loop3A_342 = arith.ori %parallel_loop3A_341, %add3A_15 : vector<16xi32>
        tpu.vector_store_idx %arg7[%parallel_loop3A_252], %broadcast_in_dim3A_17 {add = true} : memref<8192xi32, #tpu.memory_space<vmem>>[vector<16xi32>], vector<16xi32>,
        tpu.vector_store_idx %arg8[%parallel_loop3A_258], %broadcast_in_dim3A_17 {add = true} : memref<8192xi32, #tpu.memory_space<vmem>>[vector<16xi32>], vector<16xi32>,
        tpu.vector_store_idx %arg9[%parallel_loop3A_264], %broadcast_in_dim3A_17 {add = true} : memref<8192xi32, #tpu.memory_space<vmem>>[vector<16xi32>], vector<16xi32>,
        tpu.vector_store_idx %arg10[%parallel_loop3A_270], %broadcast_in_dim3A_17 {add = true} : memref<8192xi32, #tpu.memory_space<vmem>>[vector<16xi32>], vector<16xi32>,
        tpu.vector_store_idx %arg7[%parallel_loop3A_276], %broadcast_in_dim3A_17 {add = true} : memref<8192xi32, #tpu.memory_space<vmem>>[vector<16xi32>], vector<16xi32>,
        tpu.vector_store_idx %arg8[%parallel_loop3A_282], %broadcast_in_dim3A_17 {add = true} : memref<8192xi32, #tpu.memory_space<vmem>>[vector<16xi32>], vector<16xi32>,
        tpu.vector_store_idx %arg9[%parallel_loop3A_288], %broadcast_in_dim3A_17 {add = true} : memref<8192xi32, #tpu.memory_space<vmem>>[vector<16xi32>], vector<16xi32>,
        tpu.vector_store_idx %arg10[%parallel_loop3A_294], %broadcast_in_dim3A_17 {add = true} : memref<8192xi32, #tpu.memory_space<vmem>>[vector<16xi32>], vector<16xi32>,
        tpu.vector_store_idx %arg7[%parallel_loop3A_300], %broadcast_in_dim3A_17 {add = true} : memref<8192xi32, #tpu.memory_space<vmem>>[vector<16xi32>], vector<16xi32>,
        tpu.vector_store_idx %arg8[%parallel_loop3A_306], %broadcast_in_dim3A_17 {add = true} : memref<8192xi32, #tpu.memory_space<vmem>>[vector<16xi32>], vector<16xi32>,
        tpu.vector_store_idx %arg9[%parallel_loop3A_312], %broadcast_in_dim3A_17 {add = true} : memref<8192xi32, #tpu.memory_space<vmem>>[vector<16xi32>], vector<16xi32>,
        tpu.vector_store_idx %arg10[%parallel_loop3A_318], %broadcast_in_dim3A_17 {add = true} : memref<8192xi32, #tpu.memory_space<vmem>>[vector<16xi32>], vector<16xi32>,
        tpu.vector_store_idx %arg7[%parallel_loop3A_324], %broadcast_in_dim3A_17 {add = true} : memref<8192xi32, #tpu.memory_space<vmem>>[vector<16xi32>], vector<16xi32>,
        tpu.vector_store_idx %arg8[%parallel_loop3A_330], %broadcast_in_dim3A_17 {add = true} : memref<8192xi32, #tpu.memory_space<vmem>>[vector<16xi32>], vector<16xi32>,
        tpu.vector_store_idx %arg9[%parallel_loop3A_336], %broadcast_in_dim3A_17 {add = true} : memref<8192xi32, #tpu.memory_space<vmem>>[vector<16xi32>], vector<16xi32>,
        tpu.vector_store_idx %arg10[%parallel_loop3A_342], %broadcast_in_dim3A_17 {add = true} : memref<8192xi32, #tpu.memory_space<vmem>>[vector<16xi32>], vector<16xi32>,
      } {sc.loop_unroll_factor = 1 : i64, sc.parallel_access}
      %add3A_75 = arith.constant 2 : i32
      %add3A_76 = arith.addi %mul3A_53, %add3A_75 : i32
      %lt3A_77 = arith.constant 24 : i32
      %lt3A_78 = arith.cmpi slt, %add3A_76, %lt3A_77 : i32
      %convert_element_type3A_79 = arith.extui %lt3A_78 : i1 to i32
      %cond3A_80 = arith.constant 0 : i32
      %cond3A_81 = arith.cmpi ne, %convert_element_type3A_79, %cond3A_80 : i32
      scf.if %cond3A_81 {
        %mul3A_102 = arith.constant 16384 : i32
        %mul3A_103 = arith.muli %add3A_76, %mul3A_102 : i32
        %add3A_104 = arith.addi %mul3A_2, %mul3A_103 : i32
        %dma_start3A_105 = arith.constant 0 : i32
        %dma_start3A_106 = tpu.memref_slice %arg5[%dma_start3A_105] : memref<32768xf32, #tpu.memory_space<vmem>> -> memref<16384xf32, #tpu.memory_space<vmem>>
        %dma_start3A_107 = tpu.memref_slice %arg2[%add3A_104] : memref<12582912xf32, #tpu.memory_space<hbm>> -> memref<16384xf32, #tpu.memory_space<hbm>>
        %dma_start3A_108 = arith.constant 0 : i32
        %dma_start3A_109 = tpu.memref_slice %arg5[%dma_start3A_108] : memref<32768xf32, #tpu.memory_space<vmem>> -> memref<16384xf32, #tpu.memory_space<vmem>>
        %dma_start3A_110 = tpu.memref_slice %arg2[%add3A_104] : memref<12582912xf32, #tpu.memory_space<hbm>> -> memref<16384xf32, #tpu.memory_space<hbm>>
        tpu.enqueue_dma source(%dma_start3A_110 : memref<16384xf32, #tpu.memory_space<hbm>>) target(%dma_start3A_109 : memref<16384xf32, #tpu.memory_space<vmem>>) target_semaphore(%arg11 : memref<!tpu.dma_semaphore, #tpu.memory_space<semaphore_mem>>)
        %dma_start3A_111 = arith.constant 0 : i32
        %dma_start3A_112 = tpu.memref_slice %arg6[%dma_start3A_111] : memref<32768xf32, #tpu.memory_space<vmem>> -> memref<16384xf32, #tpu.memory_space<vmem>>
        %dma_start3A_113 = tpu.memref_slice %arg3[%add3A_104] : memref<12582912xf32, #tpu.memory_space<hbm>> -> memref<16384xf32, #tpu.memory_space<hbm>>
        %dma_start3A_114 = arith.constant 0 : i32
        %dma_start3A_115 = tpu.memref_slice %arg6[%dma_start3A_114] : memref<32768xf32, #tpu.memory_space<vmem>> -> memref<16384xf32, #tpu.memory_space<vmem>>
        %dma_start3A_116 = tpu.memref_slice %arg3[%add3A_104] : memref<12582912xf32, #tpu.memory_space<hbm>> -> memref<16384xf32, #tpu.memory_space<hbm>>
        tpu.enqueue_dma source(%dma_start3A_116 : memref<16384xf32, #tpu.memory_space<hbm>>) target(%dma_start3A_115 : memref<16384xf32, #tpu.memory_space<vmem>>) target_semaphore(%arg13 : memref<!tpu.dma_semaphore, #tpu.memory_space<semaphore_mem>>)
      } else {
      }
      %dma_wait3A_82 = arith.constant 16384 : i32
      %dma_wait3A_83 = tpu.memref_slice %arg5[%dma_wait3A_82] : memref<32768xf32, #tpu.memory_space<vmem>> -> memref<16384xf32, #tpu.memory_space<vmem>>
      %dma_wait3A_84 = arith.constant 0 : i32
      %dma_wait3A_85 = tpu.memref_slice %arg2[%dma_wait3A_84] : memref<12582912xf32, #tpu.memory_space<hbm>> -> memref<16384xf32, #tpu.memory_space<hbm>>
      %dma_wait3A_86 = arith.constant 16384 : i32
      %dma_wait3A_87 = tpu.memref_slice %arg5[%dma_wait3A_86] : memref<32768xf32, #tpu.memory_space<vmem>> -> memref<16384xf32, #tpu.memory_space<vmem>>
      %dma_wait3A_88 = arith.constant 0 : i32
      %dma_wait3A_89 = tpu.memref_slice %arg2[%dma_wait3A_88] : memref<12582912xf32, #tpu.memory_space<hbm>> -> memref<16384xf32, #tpu.memory_space<hbm>>
      tpu.wait_dma2 semaphore(%arg12 : memref<!tpu.dma_semaphore, #tpu.memory_space<semaphore_mem>>) src(%dma_wait3A_89 : memref<16384xf32, #tpu.memory_space<hbm>>) dst(%dma_wait3A_87 : memref<16384xf32, #tpu.memory_space<vmem>>)
      %dma_wait3A_90 = arith.constant 16384 : i32
      %dma_wait3A_91 = tpu.memref_slice %arg6[%dma_wait3A_90] : memref<32768xf32, #tpu.memory_space<vmem>> -> memref<16384xf32, #tpu.memory_space<vmem>>
      %dma_wait3A_92 = arith.constant 0 : i32
      %dma_wait3A_93 = tpu.memref_slice %arg3[%dma_wait3A_92] : memref<12582912xf32, #tpu.memory_space<hbm>> -> memref<16384xf32, #tpu.memory_space<hbm>>
      %dma_wait3A_94 = arith.constant 16384 : i32
      %dma_wait3A_95 = tpu.memref_slice %arg6[%dma_wait3A_94] : memref<32768xf32, #tpu.memory_space<vmem>> -> memref<16384xf32, #tpu.memory_space<vmem>>
      %dma_wait3A_96 = arith.constant 0 : i32
      %dma_wait3A_97 = tpu.memref_slice %arg3[%dma_wait3A_96] : memref<12582912xf32, #tpu.memory_space<hbm>> -> memref<16384xf32, #tpu.memory_space<hbm>>
      tpu.wait_dma2 semaphore(%arg14 : memref<!tpu.dma_semaphore, #tpu.memory_space<semaphore_mem>>) src(%dma_wait3A_97 : memref<16384xf32, #tpu.memory_space<hbm>>) dst(%dma_wait3A_95 : memref<16384xf32, #tpu.memory_space<vmem>>)
      %parallel_loop3A_98 = arith.constant 0 : i32
      %parallel_loop3A_99 = arith.constant 16384 : i32
      %parallel_loop3A_100 = arith.constant 128 : i32
      scf.for %parallel_loop3A_102 = %parallel_loop3A_98 to %parallel_loop3A_99 step %parallel_loop3A_100  : i32 {
        %parallel_loop3A_103 = arith.constant 16384 : i32
        %parallel_loop3A_104 = arith.addi %parallel_loop3A_103, %parallel_loop3A_102 : i32
        %parallel_loop3A_105 = arith.constant 0 : i32
        %parallel_loop3A_106 = arith.addi %parallel_loop3A_104, %parallel_loop3A_105 : i32
        %parallel_loop3A_107 = arith.index_cast %parallel_loop3A_106 : i32 to index
        %parallel_loop3A_108 = tpu.vector_load %arg5[%parallel_loop3A_107] {strides = array<i32>} : memref<32768xf32, #tpu.memory_space<vmem>>, vector<16xf32>,
        %parallel_loop3A_109 = arith.constant 16384 : i32
        %parallel_loop3A_110 = arith.addi %parallel_loop3A_109, %parallel_loop3A_102 : i32
        %parallel_loop3A_111 = arith.constant 16 : i32
        %parallel_loop3A_112 = arith.addi %parallel_loop3A_110, %parallel_loop3A_111 : i32
        %parallel_loop3A_113 = arith.index_cast %parallel_loop3A_112 : i32 to index
        %parallel_loop3A_114 = tpu.vector_load %arg5[%parallel_loop3A_113] {strides = array<i32>} : memref<32768xf32, #tpu.memory_space<vmem>>, vector<16xf32>,
        %parallel_loop3A_115 = arith.constant 16384 : i32
        %parallel_loop3A_116 = arith.addi %parallel_loop3A_115, %parallel_loop3A_102 : i32
        %parallel_loop3A_117 = arith.constant 32 : i32
        %parallel_loop3A_118 = arith.addi %parallel_loop3A_116, %parallel_loop3A_117 : i32
        %parallel_loop3A_119 = arith.index_cast %parallel_loop3A_118 : i32 to index
        %parallel_loop3A_120 = tpu.vector_load %arg5[%parallel_loop3A_119] {strides = array<i32>} : memref<32768xf32, #tpu.memory_space<vmem>>, vector<16xf32>,
        %parallel_loop3A_121 = arith.constant 16384 : i32
        %parallel_loop3A_122 = arith.addi %parallel_loop3A_121, %parallel_loop3A_102 : i32
        %parallel_loop3A_123 = arith.constant 48 : i32
        %parallel_loop3A_124 = arith.addi %parallel_loop3A_122, %parallel_loop3A_123 : i32
        %parallel_loop3A_125 = arith.index_cast %parallel_loop3A_124 : i32 to index
        %parallel_loop3A_126 = tpu.vector_load %arg5[%parallel_loop3A_125] {strides = array<i32>} : memref<32768xf32, #tpu.memory_space<vmem>>, vector<16xf32>,
        %parallel_loop3A_127 = arith.constant 16384 : i32
        %parallel_loop3A_128 = arith.addi %parallel_loop3A_127, %parallel_loop3A_102 : i32
        %parallel_loop3A_129 = arith.constant 64 : i32
        %parallel_loop3A_130 = arith.addi %parallel_loop3A_128, %parallel_loop3A_129 : i32
        %parallel_loop3A_131 = arith.index_cast %parallel_loop3A_130 : i32 to index
        %parallel_loop3A_132 = tpu.vector_load %arg5[%parallel_loop3A_131] {strides = array<i32>} : memref<32768xf32, #tpu.memory_space<vmem>>, vector<16xf32>,
        %parallel_loop3A_133 = arith.constant 16384 : i32
        %parallel_loop3A_134 = arith.addi %parallel_loop3A_133, %parallel_loop3A_102 : i32
        %parallel_loop3A_135 = arith.constant 80 : i32
        %parallel_loop3A_136 = arith.addi %parallel_loop3A_134, %parallel_loop3A_135 : i32
        %parallel_loop3A_137 = arith.index_cast %parallel_loop3A_136 : i32 to index
        %parallel_loop3A_138 = tpu.vector_load %arg5[%parallel_loop3A_137] {strides = array<i32>} : memref<32768xf32, #tpu.memory_space<vmem>>, vector<16xf32>,
        %parallel_loop3A_139 = arith.constant 16384 : i32
        %parallel_loop3A_140 = arith.addi %parallel_loop3A_139, %parallel_loop3A_102 : i32
        %parallel_loop3A_141 = arith.constant 96 : i32
        %parallel_loop3A_142 = arith.addi %parallel_loop3A_140, %parallel_loop3A_141 : i32
        %parallel_loop3A_143 = arith.index_cast %parallel_loop3A_142 : i32 to index
        %parallel_loop3A_144 = tpu.vector_load %arg5[%parallel_loop3A_143] {strides = array<i32>} : memref<32768xf32, #tpu.memory_space<vmem>>, vector<16xf32>,
        %parallel_loop3A_145 = arith.constant 16384 : i32
        %parallel_loop3A_146 = arith.addi %parallel_loop3A_145, %parallel_loop3A_102 : i32
        %parallel_loop3A_147 = arith.constant 112 : i32
        %parallel_loop3A_148 = arith.addi %parallel_loop3A_146, %parallel_loop3A_147 : i32
        %parallel_loop3A_149 = arith.index_cast %parallel_loop3A_148 : i32 to index
        %parallel_loop3A_150 = tpu.vector_load %arg5[%parallel_loop3A_149] {strides = array<i32>} : memref<32768xf32, #tpu.memory_space<vmem>>, vector<16xf32>,
        %parallel_loop3A_151 = arith.constant 16384 : i32
        %parallel_loop3A_152 = arith.addi %parallel_loop3A_151, %parallel_loop3A_102 : i32
        %parallel_loop3A_153 = arith.constant 0 : i32
        %parallel_loop3A_154 = arith.addi %parallel_loop3A_152, %parallel_loop3A_153 : i32
        %parallel_loop3A_155 = arith.index_cast %parallel_loop3A_154 : i32 to index
        %parallel_loop3A_156 = tpu.vector_load %arg6[%parallel_loop3A_155] {strides = array<i32>} : memref<32768xf32, #tpu.memory_space<vmem>>, vector<16xf32>,
        %parallel_loop3A_157 = arith.constant 16384 : i32
        %parallel_loop3A_158 = arith.addi %parallel_loop3A_157, %parallel_loop3A_102 : i32
        %parallel_loop3A_159 = arith.constant 16 : i32
        %parallel_loop3A_160 = arith.addi %parallel_loop3A_158, %parallel_loop3A_159 : i32
        %parallel_loop3A_161 = arith.index_cast %parallel_loop3A_160 : i32 to index
        %parallel_loop3A_162 = tpu.vector_load %arg6[%parallel_loop3A_161] {strides = array<i32>} : memref<32768xf32, #tpu.memory_space<vmem>>, vector<16xf32>,
        %parallel_loop3A_163 = arith.constant 16384 : i32
        %parallel_loop3A_164 = arith.addi %parallel_loop3A_163, %parallel_loop3A_102 : i32
        %parallel_loop3A_165 = arith.constant 32 : i32
        %parallel_loop3A_166 = arith.addi %parallel_loop3A_164, %parallel_loop3A_165 : i32
        %parallel_loop3A_167 = arith.index_cast %parallel_loop3A_166 : i32 to index
        %parallel_loop3A_168 = tpu.vector_load %arg6[%parallel_loop3A_167] {strides = array<i32>} : memref<32768xf32, #tpu.memory_space<vmem>>, vector<16xf32>,
        %parallel_loop3A_169 = arith.constant 16384 : i32
        %parallel_loop3A_170 = arith.addi %parallel_loop3A_169, %parallel_loop3A_102 : i32
        %parallel_loop3A_171 = arith.constant 48 : i32
        %parallel_loop3A_172 = arith.addi %parallel_loop3A_170, %parallel_loop3A_171 : i32
        %parallel_loop3A_173 = arith.index_cast %parallel_loop3A_172 : i32 to index
        %parallel_loop3A_174 = tpu.vector_load %arg6[%parallel_loop3A_173] {strides = array<i32>} : memref<32768xf32, #tpu.memory_space<vmem>>, vector<16xf32>,
        %parallel_loop3A_175 = arith.constant 16384 : i32
        %parallel_loop3A_176 = arith.addi %parallel_loop3A_175, %parallel_loop3A_102 : i32
        %parallel_loop3A_177 = arith.constant 64 : i32
        %parallel_loop3A_178 = arith.addi %parallel_loop3A_176, %parallel_loop3A_177 : i32
        %parallel_loop3A_179 = arith.index_cast %parallel_loop3A_178 : i32 to index
        %parallel_loop3A_180 = tpu.vector_load %arg6[%parallel_loop3A_179] {strides = array<i32>} : memref<32768xf32, #tpu.memory_space<vmem>>, vector<16xf32>,
        %parallel_loop3A_181 = arith.constant 16384 : i32
        %parallel_loop3A_182 = arith.addi %parallel_loop3A_181, %parallel_loop3A_102 : i32
        %parallel_loop3A_183 = arith.constant 80 : i32
        %parallel_loop3A_184 = arith.addi %parallel_loop3A_182, %parallel_loop3A_183 : i32
        %parallel_loop3A_185 = arith.index_cast %parallel_loop3A_184 : i32 to index
        %parallel_loop3A_186 = tpu.vector_load %arg6[%parallel_loop3A_185] {strides = array<i32>} : memref<32768xf32, #tpu.memory_space<vmem>>, vector<16xf32>,
        %parallel_loop3A_187 = arith.constant 16384 : i32
        %parallel_loop3A_188 = arith.addi %parallel_loop3A_187, %parallel_loop3A_102 : i32
        %parallel_loop3A_189 = arith.constant 96 : i32
        %parallel_loop3A_190 = arith.addi %parallel_loop3A_188, %parallel_loop3A_189 : i32
        %parallel_loop3A_191 = arith.index_cast %parallel_loop3A_190 : i32 to index
        %parallel_loop3A_192 = tpu.vector_load %arg6[%parallel_loop3A_191] {strides = array<i32>} : memref<32768xf32, #tpu.memory_space<vmem>>, vector<16xf32>,
        %parallel_loop3A_193 = arith.constant 16384 : i32
        %parallel_loop3A_194 = arith.addi %parallel_loop3A_193, %parallel_loop3A_102 : i32
        %parallel_loop3A_195 = arith.constant 112 : i32
        %parallel_loop3A_196 = arith.addi %parallel_loop3A_194, %parallel_loop3A_195 : i32
        %parallel_loop3A_197 = arith.index_cast %parallel_loop3A_196 : i32 to index
        %parallel_loop3A_198 = tpu.vector_load %arg6[%parallel_loop3A_197] {strides = array<i32>} : memref<32768xf32, #tpu.memory_space<vmem>>, vector<16xf32>,
        %parallel_loop3A_199 = vector.broadcast %scan3A_31 : f32 to vector<16xf32>
        %parallel_loop3A_200 = arith.addf %parallel_loop3A_108, %parallel_loop3A_199 : vector<16xf32>
        %parallel_loop3A_201 = tpu.bitcast %parallel_loop3A_200 : vector<16xf32> -> vector<16xi32>
        %parallel_loop3A_202 = vector.broadcast %scan3A_31 : f32 to vector<16xf32>
        %parallel_loop3A_203 = arith.addf %parallel_loop3A_114, %parallel_loop3A_202 : vector<16xf32>
        %parallel_loop3A_204 = tpu.bitcast %parallel_loop3A_203 : vector<16xf32> -> vector<16xi32>
        %parallel_loop3A_205 = vector.broadcast %scan3A_31 : f32 to vector<16xf32>
        %parallel_loop3A_206 = arith.addf %parallel_loop3A_120, %parallel_loop3A_205 : vector<16xf32>
        %parallel_loop3A_207 = tpu.bitcast %parallel_loop3A_206 : vector<16xf32> -> vector<16xi32>
        %parallel_loop3A_208 = vector.broadcast %scan3A_31 : f32 to vector<16xf32>
        %parallel_loop3A_209 = arith.addf %parallel_loop3A_126, %parallel_loop3A_208 : vector<16xf32>
        %parallel_loop3A_210 = tpu.bitcast %parallel_loop3A_209 : vector<16xf32> -> vector<16xi32>
        %parallel_loop3A_211 = vector.broadcast %scan3A_31 : f32 to vector<16xf32>
        %parallel_loop3A_212 = arith.addf %parallel_loop3A_132, %parallel_loop3A_211 : vector<16xf32>
        %parallel_loop3A_213 = tpu.bitcast %parallel_loop3A_212 : vector<16xf32> -> vector<16xi32>
        %parallel_loop3A_214 = vector.broadcast %scan3A_31 : f32 to vector<16xf32>
        %parallel_loop3A_215 = arith.addf %parallel_loop3A_138, %parallel_loop3A_214 : vector<16xf32>
        %parallel_loop3A_216 = tpu.bitcast %parallel_loop3A_215 : vector<16xf32> -> vector<16xi32>
        %parallel_loop3A_217 = vector.broadcast %scan3A_31 : f32 to vector<16xf32>
        %parallel_loop3A_218 = arith.addf %parallel_loop3A_144, %parallel_loop3A_217 : vector<16xf32>
        %parallel_loop3A_219 = tpu.bitcast %parallel_loop3A_218 : vector<16xf32> -> vector<16xi32>
        %parallel_loop3A_220 = vector.broadcast %scan3A_31 : f32 to vector<16xf32>
        %parallel_loop3A_221 = arith.addf %parallel_loop3A_150, %parallel_loop3A_220 : vector<16xf32>
        %parallel_loop3A_222 = tpu.bitcast %parallel_loop3A_221 : vector<16xf32> -> vector<16xi32>
        %parallel_loop3A_223 = vector.broadcast %scan3A_31 : f32 to vector<16xf32>
        %parallel_loop3A_224 = arith.addf %parallel_loop3A_156, %parallel_loop3A_223 : vector<16xf32>
        %parallel_loop3A_225 = tpu.bitcast %parallel_loop3A_224 : vector<16xf32> -> vector<16xi32>
        %parallel_loop3A_226 = vector.broadcast %scan3A_31 : f32 to vector<16xf32>
        %parallel_loop3A_227 = arith.addf %parallel_loop3A_162, %parallel_loop3A_226 : vector<16xf32>
        %parallel_loop3A_228 = tpu.bitcast %parallel_loop3A_227 : vector<16xf32> -> vector<16xi32>
        %parallel_loop3A_229 = vector.broadcast %scan3A_31 : f32 to vector<16xf32>
        %parallel_loop3A_230 = arith.addf %parallel_loop3A_168, %parallel_loop3A_229 : vector<16xf32>
        %parallel_loop3A_231 = tpu.bitcast %parallel_loop3A_230 : vector<16xf32> -> vector<16xi32>
        %parallel_loop3A_232 = vector.broadcast %scan3A_31 : f32 to vector<16xf32>
        %parallel_loop3A_233 = arith.addf %parallel_loop3A_174, %parallel_loop3A_232 : vector<16xf32>
        %parallel_loop3A_234 = tpu.bitcast %parallel_loop3A_233 : vector<16xf32> -> vector<16xi32>
        %parallel_loop3A_235 = vector.broadcast %scan3A_31 : f32 to vector<16xf32>
        %parallel_loop3A_236 = arith.addf %parallel_loop3A_180, %parallel_loop3A_235 : vector<16xf32>
        %parallel_loop3A_237 = tpu.bitcast %parallel_loop3A_236 : vector<16xf32> -> vector<16xi32>
        %parallel_loop3A_238 = vector.broadcast %scan3A_31 : f32 to vector<16xf32>
        %parallel_loop3A_239 = arith.addf %parallel_loop3A_186, %parallel_loop3A_238 : vector<16xf32>
        %parallel_loop3A_240 = tpu.bitcast %parallel_loop3A_239 : vector<16xf32> -> vector<16xi32>
        %parallel_loop3A_241 = vector.broadcast %scan3A_31 : f32 to vector<16xf32>
        %parallel_loop3A_242 = arith.addf %parallel_loop3A_192, %parallel_loop3A_241 : vector<16xf32>
        %parallel_loop3A_243 = tpu.bitcast %parallel_loop3A_242 : vector<16xf32> -> vector<16xi32>
        %parallel_loop3A_244 = vector.broadcast %scan3A_31 : f32 to vector<16xf32>
        %parallel_loop3A_245 = arith.addf %parallel_loop3A_198, %parallel_loop3A_244 : vector<16xf32>
        %parallel_loop3A_246 = tpu.bitcast %parallel_loop3A_245 : vector<16xf32> -> vector<16xi32>
        %parallel_loop3A_247 = arith.constant 11 : i32
        %parallel_loop3A_248 = vector.broadcast %parallel_loop3A_247 : i32 to vector<16xi32>
        %parallel_loop3A_249 = arith.shrsi %parallel_loop3A_201, %parallel_loop3A_248 : vector<16xi32>
        %parallel_loop3A_250 = vector.broadcast %scan3A_32 : i32 to vector<16xi32>
        %parallel_loop3A_251 = arith.andi %parallel_loop3A_249, %parallel_loop3A_250 : vector<16xi32>
        %parallel_loop3A_252 = arith.ori %parallel_loop3A_251, %add3A_12 : vector<16xi32>
        %parallel_loop3A_253 = arith.constant 11 : i32
        %parallel_loop3A_254 = vector.broadcast %parallel_loop3A_253 : i32 to vector<16xi32>
        %parallel_loop3A_255 = arith.shrsi %parallel_loop3A_204, %parallel_loop3A_254 : vector<16xi32>
        %parallel_loop3A_256 = vector.broadcast %scan3A_32 : i32 to vector<16xi32>
        %parallel_loop3A_257 = arith.andi %parallel_loop3A_255, %parallel_loop3A_256 : vector<16xi32>
        %parallel_loop3A_258 = arith.ori %parallel_loop3A_257, %add3A_12 : vector<16xi32>
        %parallel_loop3A_259 = arith.constant 11 : i32
        %parallel_loop3A_260 = vector.broadcast %parallel_loop3A_259 : i32 to vector<16xi32>
        %parallel_loop3A_261 = arith.shrsi %parallel_loop3A_207, %parallel_loop3A_260 : vector<16xi32>
        %parallel_loop3A_262 = vector.broadcast %scan3A_32 : i32 to vector<16xi32>
        %parallel_loop3A_263 = arith.andi %parallel_loop3A_261, %parallel_loop3A_262 : vector<16xi32>
        %parallel_loop3A_264 = arith.ori %parallel_loop3A_263, %add3A_12 : vector<16xi32>
        %parallel_loop3A_265 = arith.constant 11 : i32
        %parallel_loop3A_266 = vector.broadcast %parallel_loop3A_265 : i32 to vector<16xi32>
        %parallel_loop3A_267 = arith.shrsi %parallel_loop3A_210, %parallel_loop3A_266 : vector<16xi32>
        %parallel_loop3A_268 = vector.broadcast %scan3A_32 : i32 to vector<16xi32>
        %parallel_loop3A_269 = arith.andi %parallel_loop3A_267, %parallel_loop3A_268 : vector<16xi32>
        %parallel_loop3A_270 = arith.ori %parallel_loop3A_269, %add3A_12 : vector<16xi32>
        %parallel_loop3A_271 = arith.constant 11 : i32
        %parallel_loop3A_272 = vector.broadcast %parallel_loop3A_271 : i32 to vector<16xi32>
        %parallel_loop3A_273 = arith.shrsi %parallel_loop3A_213, %parallel_loop3A_272 : vector<16xi32>
        %parallel_loop3A_274 = vector.broadcast %scan3A_32 : i32 to vector<16xi32>
        %parallel_loop3A_275 = arith.andi %parallel_loop3A_273, %parallel_loop3A_274 : vector<16xi32>
        %parallel_loop3A_276 = arith.ori %parallel_loop3A_275, %add3A_12 : vector<16xi32>
        %parallel_loop3A_277 = arith.constant 11 : i32
        %parallel_loop3A_278 = vector.broadcast %parallel_loop3A_277 : i32 to vector<16xi32>
        %parallel_loop3A_279 = arith.shrsi %parallel_loop3A_216, %parallel_loop3A_278 : vector<16xi32>
        %parallel_loop3A_280 = vector.broadcast %scan3A_32 : i32 to vector<16xi32>
        %parallel_loop3A_281 = arith.andi %parallel_loop3A_279, %parallel_loop3A_280 : vector<16xi32>
        %parallel_loop3A_282 = arith.ori %parallel_loop3A_281, %add3A_12 : vector<16xi32>
        %parallel_loop3A_283 = arith.constant 11 : i32
        %parallel_loop3A_284 = vector.broadcast %parallel_loop3A_283 : i32 to vector<16xi32>
        %parallel_loop3A_285 = arith.shrsi %parallel_loop3A_219, %parallel_loop3A_284 : vector<16xi32>
        %parallel_loop3A_286 = vector.broadcast %scan3A_32 : i32 to vector<16xi32>
        %parallel_loop3A_287 = arith.andi %parallel_loop3A_285, %parallel_loop3A_286 : vector<16xi32>
        %parallel_loop3A_288 = arith.ori %parallel_loop3A_287, %add3A_12 : vector<16xi32>
        %parallel_loop3A_289 = arith.constant 11 : i32
        %parallel_loop3A_290 = vector.broadcast %parallel_loop3A_289 : i32 to vector<16xi32>
        %parallel_loop3A_291 = arith.shrsi %parallel_loop3A_222, %parallel_loop3A_290 : vector<16xi32>
        %parallel_loop3A_292 = vector.broadcast %scan3A_32 : i32 to vector<16xi32>
        %parallel_loop3A_293 = arith.andi %parallel_loop3A_291, %parallel_loop3A_292 : vector<16xi32>
        %parallel_loop3A_294 = arith.ori %parallel_loop3A_293, %add3A_12 : vector<16xi32>
        %parallel_loop3A_295 = arith.constant 11 : i32
        %parallel_loop3A_296 = vector.broadcast %parallel_loop3A_295 : i32 to vector<16xi32>
        %parallel_loop3A_297 = arith.shrsi %parallel_loop3A_225, %parallel_loop3A_296 : vector<16xi32>
        %parallel_loop3A_298 = vector.broadcast %scan3A_32 : i32 to vector<16xi32>
        %parallel_loop3A_299 = arith.andi %parallel_loop3A_297, %parallel_loop3A_298 : vector<16xi32>
        %parallel_loop3A_300 = arith.ori %parallel_loop3A_299, %add3A_15 : vector<16xi32>
        %parallel_loop3A_301 = arith.constant 11 : i32
        %parallel_loop3A_302 = vector.broadcast %parallel_loop3A_301 : i32 to vector<16xi32>
        %parallel_loop3A_303 = arith.shrsi %parallel_loop3A_228, %parallel_loop3A_302 : vector<16xi32>
        %parallel_loop3A_304 = vector.broadcast %scan3A_32 : i32 to vector<16xi32>
        %parallel_loop3A_305 = arith.andi %parallel_loop3A_303, %parallel_loop3A_304 : vector<16xi32>
        %parallel_loop3A_306 = arith.ori %parallel_loop3A_305, %add3A_15 : vector<16xi32>
        %parallel_loop3A_307 = arith.constant 11 : i32
        %parallel_loop3A_308 = vector.broadcast %parallel_loop3A_307 : i32 to vector<16xi32>
        %parallel_loop3A_309 = arith.shrsi %parallel_loop3A_231, %parallel_loop3A_308 : vector<16xi32>
        %parallel_loop3A_310 = vector.broadcast %scan3A_32 : i32 to vector<16xi32>
        %parallel_loop3A_311 = arith.andi %parallel_loop3A_309, %parallel_loop3A_310 : vector<16xi32>
        %parallel_loop3A_312 = arith.ori %parallel_loop3A_311, %add3A_15 : vector<16xi32>
        %parallel_loop3A_313 = arith.constant 11 : i32
        %parallel_loop3A_314 = vector.broadcast %parallel_loop3A_313 : i32 to vector<16xi32>
        %parallel_loop3A_315 = arith.shrsi %parallel_loop3A_234, %parallel_loop3A_314 : vector<16xi32>
        %parallel_loop3A_316 = vector.broadcast %scan3A_32 : i32 to vector<16xi32>
        %parallel_loop3A_317 = arith.andi %parallel_loop3A_315, %parallel_loop3A_316 : vector<16xi32>
        %parallel_loop3A_318 = arith.ori %parallel_loop3A_317, %add3A_15 : vector<16xi32>
        %parallel_loop3A_319 = arith.constant 11 : i32
        %parallel_loop3A_320 = vector.broadcast %parallel_loop3A_319 : i32 to vector<16xi32>
        %parallel_loop3A_321 = arith.shrsi %parallel_loop3A_237, %parallel_loop3A_320 : vector<16xi32>
        %parallel_loop3A_322 = vector.broadcast %scan3A_32 : i32 to vector<16xi32>
        %parallel_loop3A_323 = arith.andi %parallel_loop3A_321, %parallel_loop3A_322 : vector<16xi32>
        %parallel_loop3A_324 = arith.ori %parallel_loop3A_323, %add3A_15 : vector<16xi32>
        %parallel_loop3A_325 = arith.constant 11 : i32
        %parallel_loop3A_326 = vector.broadcast %parallel_loop3A_325 : i32 to vector<16xi32>
        %parallel_loop3A_327 = arith.shrsi %parallel_loop3A_240, %parallel_loop3A_326 : vector<16xi32>
        %parallel_loop3A_328 = vector.broadcast %scan3A_32 : i32 to vector<16xi32>
        %parallel_loop3A_329 = arith.andi %parallel_loop3A_327, %parallel_loop3A_328 : vector<16xi32>
        %parallel_loop3A_330 = arith.ori %parallel_loop3A_329, %add3A_15 : vector<16xi32>
        %parallel_loop3A_331 = arith.constant 11 : i32
        %parallel_loop3A_332 = vector.broadcast %parallel_loop3A_331 : i32 to vector<16xi32>
        %parallel_loop3A_333 = arith.shrsi %parallel_loop3A_243, %parallel_loop3A_332 : vector<16xi32>
        %parallel_loop3A_334 = vector.broadcast %scan3A_32 : i32 to vector<16xi32>
        %parallel_loop3A_335 = arith.andi %parallel_loop3A_333, %parallel_loop3A_334 : vector<16xi32>
        %parallel_loop3A_336 = arith.ori %parallel_loop3A_335, %add3A_15 : vector<16xi32>
        %parallel_loop3A_337 = arith.constant 11 : i32
        %parallel_loop3A_338 = vector.broadcast %parallel_loop3A_337 : i32 to vector<16xi32>
        %parallel_loop3A_339 = arith.shrsi %parallel_loop3A_246, %parallel_loop3A_338 : vector<16xi32>
        %parallel_loop3A_340 = vector.broadcast %scan3A_32 : i32 to vector<16xi32>
        %parallel_loop3A_341 = arith.andi %parallel_loop3A_339, %parallel_loop3A_340 : vector<16xi32>
        %parallel_loop3A_342 = arith.ori %parallel_loop3A_341, %add3A_15 : vector<16xi32>
        tpu.vector_store_idx %arg7[%parallel_loop3A_252], %broadcast_in_dim3A_17 {add = true} : memref<8192xi32, #tpu.memory_space<vmem>>[vector<16xi32>], vector<16xi32>,
        tpu.vector_store_idx %arg8[%parallel_loop3A_258], %broadcast_in_dim3A_17 {add = true} : memref<8192xi32, #tpu.memory_space<vmem>>[vector<16xi32>], vector<16xi32>,
        tpu.vector_store_idx %arg9[%parallel_loop3A_264], %broadcast_in_dim3A_17 {add = true} : memref<8192xi32, #tpu.memory_space<vmem>>[vector<16xi32>], vector<16xi32>,
        tpu.vector_store_idx %arg10[%parallel_loop3A_270], %broadcast_in_dim3A_17 {add = true} : memref<8192xi32, #tpu.memory_space<vmem>>[vector<16xi32>], vector<16xi32>,
        tpu.vector_store_idx %arg7[%parallel_loop3A_276], %broadcast_in_dim3A_17 {add = true} : memref<8192xi32, #tpu.memory_space<vmem>>[vector<16xi32>], vector<16xi32>,
        tpu.vector_store_idx %arg8[%parallel_loop3A_282], %broadcast_in_dim3A_17 {add = true} : memref<8192xi32, #tpu.memory_space<vmem>>[vector<16xi32>], vector<16xi32>,
        tpu.vector_store_idx %arg9[%parallel_loop3A_288], %broadcast_in_dim3A_17 {add = true} : memref<8192xi32, #tpu.memory_space<vmem>>[vector<16xi32>], vector<16xi32>,
        tpu.vector_store_idx %arg10[%parallel_loop3A_294], %broadcast_in_dim3A_17 {add = true} : memref<8192xi32, #tpu.memory_space<vmem>>[vector<16xi32>], vector<16xi32>,
        tpu.vector_store_idx %arg7[%parallel_loop3A_300], %broadcast_in_dim3A_17 {add = true} : memref<8192xi32, #tpu.memory_space<vmem>>[vector<16xi32>], vector<16xi32>,
        tpu.vector_store_idx %arg8[%parallel_loop3A_306], %broadcast_in_dim3A_17 {add = true} : memref<8192xi32, #tpu.memory_space<vmem>>[vector<16xi32>], vector<16xi32>,
        tpu.vector_store_idx %arg9[%parallel_loop3A_312], %broadcast_in_dim3A_17 {add = true} : memref<8192xi32, #tpu.memory_space<vmem>>[vector<16xi32>], vector<16xi32>,
        tpu.vector_store_idx %arg10[%parallel_loop3A_318], %broadcast_in_dim3A_17 {add = true} : memref<8192xi32, #tpu.memory_space<vmem>>[vector<16xi32>], vector<16xi32>,
        tpu.vector_store_idx %arg7[%parallel_loop3A_324], %broadcast_in_dim3A_17 {add = true} : memref<8192xi32, #tpu.memory_space<vmem>>[vector<16xi32>], vector<16xi32>,
        tpu.vector_store_idx %arg8[%parallel_loop3A_330], %broadcast_in_dim3A_17 {add = true} : memref<8192xi32, #tpu.memory_space<vmem>>[vector<16xi32>], vector<16xi32>,
        tpu.vector_store_idx %arg9[%parallel_loop3A_336], %broadcast_in_dim3A_17 {add = true} : memref<8192xi32, #tpu.memory_space<vmem>>[vector<16xi32>], vector<16xi32>,
        tpu.vector_store_idx %arg10[%parallel_loop3A_342], %broadcast_in_dim3A_17 {add = true} : memref<8192xi32, #tpu.memory_space<vmem>>[vector<16xi32>], vector<16xi32>,
      } {sc.loop_unroll_factor = 1 : i64, sc.parallel_access}
      %scan3A_101 = arith.constant 0 : i32
      scf.yield %scan3A_101 : i32
    }
    %scan3A_39 = arith.constant 12 : i32
    %mul3A_40 = arith.constant 32768 : i32
    %mul3A_41 = arith.muli %add3A, %mul3A_40 : i32
    %add3A_42 = arith.constant 0 : i32
    %add3A_43 = arith.addi %mul3A_41, %add3A_42 : i32
    "tpu.region"() ({
      %run_scoped3A = tpu.sem_alloc : memref<!tpu.dma_semaphore, #tpu.memory_space<semaphore_mem>>
      %dma_start3A_50 = tpu.memref_slice %arg4[%add3A_43] : memref<1048576xi32, #tpu.memory_space<hbm>> -> memref<8192xi32, #tpu.memory_space<hbm>>
      %dma_start3A_51 = tpu.memref_slice %arg4[%add3A_43] : memref<1048576xi32, #tpu.memory_space<hbm>> -> memref<8192xi32, #tpu.memory_space<hbm>>
      tpu.enqueue_dma source(%arg7 : memref<8192xi32, #tpu.memory_space<vmem>>) target(%dma_start3A_51 : memref<8192xi32, #tpu.memory_space<hbm>>) target_semaphore(%run_scoped3A : memref<!tpu.dma_semaphore, #tpu.memory_space<semaphore_mem>>)
      %dma_wait3A = tpu.memref_slice %arg4[%add3A_43] : memref<1048576xi32, #tpu.memory_space<hbm>> -> memref<8192xi32, #tpu.memory_space<hbm>>
      %dma_wait3A_52 = tpu.memref_slice %arg4[%add3A_43] : memref<1048576xi32, #tpu.memory_space<hbm>> -> memref<8192xi32, #tpu.memory_space<hbm>>
      tpu.wait_dma2 semaphore(%run_scoped3A : memref<!tpu.dma_semaphore, #tpu.memory_space<semaphore_mem>>) src(%arg7 : memref<8192xi32, #tpu.memory_space<vmem>>) dst(%dma_wait3A_52 : memref<8192xi32, #tpu.memory_space<hbm>>)
      tpu.yield
    }) : () -> ()
    %add3A_44 = arith.constant 8192 : i32
    %add3A_45 = arith.addi %mul3A_41, %add3A_44 : i32
    "tpu.region"() ({
      %run_scoped3A = tpu.sem_alloc : memref<!tpu.dma_semaphore, #tpu.memory_space<semaphore_mem>>
      %dma_start3A_50 = tpu.memref_slice %arg4[%add3A_45] : memref<1048576xi32, #tpu.memory_space<hbm>> -> memref<8192xi32, #tpu.memory_space<hbm>>
      %dma_start3A_51 = tpu.memref_slice %arg4[%add3A_45] : memref<1048576xi32, #tpu.memory_space<hbm>> -> memref<8192xi32, #tpu.memory_space<hbm>>
      tpu.enqueue_dma source(%arg8 : memref<8192xi32, #tpu.memory_space<vmem>>) target(%dma_start3A_51 : memref<8192xi32, #tpu.memory_space<hbm>>) target_semaphore(%run_scoped3A : memref<!tpu.dma_semaphore, #tpu.memory_space<semaphore_mem>>)
      %dma_wait3A = tpu.memref_slice %arg4[%add3A_45] : memref<1048576xi32, #tpu.memory_space<hbm>> -> memref<8192xi32, #tpu.memory_space<hbm>>
      %dma_wait3A_52 = tpu.memref_slice %arg4[%add3A_45] : memref<1048576xi32, #tpu.memory_space<hbm>> -> memref<8192xi32, #tpu.memory_space<hbm>>
      tpu.wait_dma2 semaphore(%run_scoped3A : memref<!tpu.dma_semaphore, #tpu.memory_space<semaphore_mem>>) src(%arg8 : memref<8192xi32, #tpu.memory_space<vmem>>) dst(%dma_wait3A_52 : memref<8192xi32, #tpu.memory_space<hbm>>)
      tpu.yield
    }) : () -> ()
    %add3A_46 = arith.constant 16384 : i32
    %add3A_47 = arith.addi %mul3A_41, %add3A_46 : i32
    "tpu.region"() ({
      %run_scoped3A = tpu.sem_alloc : memref<!tpu.dma_semaphore, #tpu.memory_space<semaphore_mem>>
      %dma_start3A_50 = tpu.memref_slice %arg4[%add3A_47] : memref<1048576xi32, #tpu.memory_space<hbm>> -> memref<8192xi32, #tpu.memory_space<hbm>>
      %dma_start3A_51 = tpu.memref_slice %arg4[%add3A_47] : memref<1048576xi32, #tpu.memory_space<hbm>> -> memref<8192xi32, #tpu.memory_space<hbm>>
      tpu.enqueue_dma source(%arg9 : memref<8192xi32, #tpu.memory_space<vmem>>) target(%dma_start3A_51 : memref<8192xi32, #tpu.memory_space<hbm>>) target_semaphore(%run_scoped3A : memref<!tpu.dma_semaphore, #tpu.memory_space<semaphore_mem>>)
      %dma_wait3A = tpu.memref_slice %arg4[%add3A_47] : memref<1048576xi32, #tpu.memory_space<hbm>> -> memref<8192xi32, #tpu.memory_space<hbm>>
      %dma_wait3A_52 = tpu.memref_slice %arg4[%add3A_47] : memref<1048576xi32, #tpu.memory_space<hbm>> -> memref<8192xi32, #tpu.memory_space<hbm>>
      tpu.wait_dma2 semaphore(%run_scoped3A : memref<!tpu.dma_semaphore, #tpu.memory_space<semaphore_mem>>) src(%arg9 : memref<8192xi32, #tpu.memory_space<vmem>>) dst(%dma_wait3A_52 : memref<8192xi32, #tpu.memory_space<hbm>>)
      tpu.yield
    }) : () -> ()
    %add3A_48 = arith.constant 24576 : i32
    %add3A_49 = arith.addi %mul3A_41, %add3A_48 : i32
    "tpu.region"() ({
      %run_scoped3A = tpu.sem_alloc : memref<!tpu.dma_semaphore, #tpu.memory_space<semaphore_mem>>
      %dma_start3A_50 = tpu.memref_slice %arg4[%add3A_49] : memref<1048576xi32, #tpu.memory_space<hbm>> -> memref<8192xi32, #tpu.memory_space<hbm>>
      %dma_start3A_51 = tpu.memref_slice %arg4[%add3A_49] : memref<1048576xi32, #tpu.memory_space<hbm>> -> memref<8192xi32, #tpu.memory_space<hbm>>
      tpu.enqueue_dma source(%arg10 : memref<8192xi32, #tpu.memory_space<vmem>>) target(%dma_start3A_51 : memref<8192xi32, #tpu.memory_space<hbm>>) target_semaphore(%run_scoped3A : memref<!tpu.dma_semaphore, #tpu.memory_space<semaphore_mem>>)
      %dma_wait3A = tpu.memref_slice %arg4[%add3A_49] : memref<1048576xi32, #tpu.memory_space<hbm>> -> memref<8192xi32, #tpu.memory_space<hbm>>
      %dma_wait3A_52 = tpu.memref_slice %arg4[%add3A_49] : memref<1048576xi32, #tpu.memory_space<hbm>> -> memref<8192xi32, #tpu.memory_space<hbm>>
      tpu.wait_dma2 semaphore(%run_scoped3A : memref<!tpu.dma_semaphore, #tpu.memory_space<semaphore_mem>>) src(%arg10 : memref<8192xi32, #tpu.memory_space<vmem>>) dst(%dma_wait3A_52 : memref<8192xi32, #tpu.memory_space<hbm>>)
      tpu.yield
    }) : () -> ()
    return
  }
}

module attributes {stable_mosaic.version = 14 : i64} {
  func.func @_fin_body(%arg0: memref<8192x128xi32, #tpu.memory_space<vmem>>, %arg1: memref<1x1xf32, #tpu.memory_space<vmem>>) attributes {dimension_semantics = [], scalar_prefetch = 0 : i64, scratch_operands = 0 : i64, tpu.core_type = #tpu.core_type<tc>} {
    %get3A = arith.constant 0 : index
    %get3A_0 = arith.constant 0 : index
    %get3A_1 = vector.load %arg0[%get3A, %get3A_0] : memref<8192x128xi32, #tpu.memory_space<vmem>>, vector<8192x128xi32>
    %slice3A = vector.extract_strided_slice %get3A_1 {offsets = [0, 0], sizes = [256, 128], strides = [1, 1]} : vector<8192x128xi32> to vector<256x128xi32>
    %slice3A_2 = vector.extract_strided_slice %get3A_1 {offsets = [256, 0], sizes = [256, 128], strides = [1, 1]} : vector<8192x128xi32> to vector<256x128xi32>
    %add3A = arith.addi %slice3A, %slice3A_2 : vector<256x128xi32>
    %slice3A_3 = vector.extract_strided_slice %get3A_1 {offsets = [512, 0], sizes = [256, 128], strides = [1, 1]} : vector<8192x128xi32> to vector<256x128xi32>
    %add3A_4 = arith.addi %add3A, %slice3A_3 : vector<256x128xi32>
    %slice3A_5 = vector.extract_strided_slice %get3A_1 {offsets = [768, 0], sizes = [256, 128], strides = [1, 1]} : vector<8192x128xi32> to vector<256x128xi32>
    %add3A_6 = arith.addi %add3A_4, %slice3A_5 : vector<256x128xi32>
    %slice3A_7 = vector.extract_strided_slice %get3A_1 {offsets = [1024, 0], sizes = [256, 128], strides = [1, 1]} : vector<8192x128xi32> to vector<256x128xi32>
    %add3A_8 = arith.addi %add3A_6, %slice3A_7 : vector<256x128xi32>
    %slice3A_9 = vector.extract_strided_slice %get3A_1 {offsets = [1280, 0], sizes = [256, 128], strides = [1, 1]} : vector<8192x128xi32> to vector<256x128xi32>
    %add3A_10 = arith.addi %add3A_8, %slice3A_9 : vector<256x128xi32>
    %slice3A_11 = vector.extract_strided_slice %get3A_1 {offsets = [1536, 0], sizes = [256, 128], strides = [1, 1]} : vector<8192x128xi32> to vector<256x128xi32>
    %add3A_12 = arith.addi %add3A_10, %slice3A_11 : vector<256x128xi32>
    %slice3A_13 = vector.extract_strided_slice %get3A_1 {offsets = [1792, 0], sizes = [256, 128], strides = [1, 1]} : vector<8192x128xi32> to vector<256x128xi32>
    %add3A_14 = arith.addi %add3A_12, %slice3A_13 : vector<256x128xi32>
    %slice3A_15 = vector.extract_strided_slice %get3A_1 {offsets = [2048, 0], sizes = [256, 128], strides = [1, 1]} : vector<8192x128xi32> to vector<256x128xi32>
    %add3A_16 = arith.addi %add3A_14, %slice3A_15 : vector<256x128xi32>
    %slice3A_17 = vector.extract_strided_slice %get3A_1 {offsets = [2304, 0], sizes = [256, 128], strides = [1, 1]} : vector<8192x128xi32> to vector<256x128xi32>
    %add3A_18 = arith.addi %add3A_16, %slice3A_17 : vector<256x128xi32>
    %slice3A_19 = vector.extract_strided_slice %get3A_1 {offsets = [2560, 0], sizes = [256, 128], strides = [1, 1]} : vector<8192x128xi32> to vector<256x128xi32>
    %add3A_20 = arith.addi %add3A_18, %slice3A_19 : vector<256x128xi32>
    %slice3A_21 = vector.extract_strided_slice %get3A_1 {offsets = [2816, 0], sizes = [256, 128], strides = [1, 1]} : vector<8192x128xi32> to vector<256x128xi32>
    %add3A_22 = arith.addi %add3A_20, %slice3A_21 : vector<256x128xi32>
    %slice3A_23 = vector.extract_strided_slice %get3A_1 {offsets = [3072, 0], sizes = [256, 128], strides = [1, 1]} : vector<8192x128xi32> to vector<256x128xi32>
    %add3A_24 = arith.addi %add3A_22, %slice3A_23 : vector<256x128xi32>
    %slice3A_25 = vector.extract_strided_slice %get3A_1 {offsets = [3328, 0], sizes = [256, 128], strides = [1, 1]} : vector<8192x128xi32> to vector<256x128xi32>
    %add3A_26 = arith.addi %add3A_24, %slice3A_25 : vector<256x128xi32>
    %slice3A_27 = vector.extract_strided_slice %get3A_1 {offsets = [3584, 0], sizes = [256, 128], strides = [1, 1]} : vector<8192x128xi32> to vector<256x128xi32>
    %add3A_28 = arith.addi %add3A_26, %slice3A_27 : vector<256x128xi32>
    %slice3A_29 = vector.extract_strided_slice %get3A_1 {offsets = [3840, 0], sizes = [256, 128], strides = [1, 1]} : vector<8192x128xi32> to vector<256x128xi32>
    %add3A_30 = arith.addi %add3A_28, %slice3A_29 : vector<256x128xi32>
    %slice3A_31 = vector.extract_strided_slice %get3A_1 {offsets = [4096, 0], sizes = [256, 128], strides = [1, 1]} : vector<8192x128xi32> to vector<256x128xi32>
    %add3A_32 = arith.addi %add3A_30, %slice3A_31 : vector<256x128xi32>
    %slice3A_33 = vector.extract_strided_slice %get3A_1 {offsets = [4352, 0], sizes = [256, 128], strides = [1, 1]} : vector<8192x128xi32> to vector<256x128xi32>
    %add3A_34 = arith.addi %add3A_32, %slice3A_33 : vector<256x128xi32>
    %slice3A_35 = vector.extract_strided_slice %get3A_1 {offsets = [4608, 0], sizes = [256, 128], strides = [1, 1]} : vector<8192x128xi32> to vector<256x128xi32>
    %add3A_36 = arith.addi %add3A_34, %slice3A_35 : vector<256x128xi32>
    %slice3A_37 = vector.extract_strided_slice %get3A_1 {offsets = [4864, 0], sizes = [256, 128], strides = [1, 1]} : vector<8192x128xi32> to vector<256x128xi32>
    %add3A_38 = arith.addi %add3A_36, %slice3A_37 : vector<256x128xi32>
    %slice3A_39 = vector.extract_strided_slice %get3A_1 {offsets = [5120, 0], sizes = [256, 128], strides = [1, 1]} : vector<8192x128xi32> to vector<256x128xi32>
    %add3A_40 = arith.addi %add3A_38, %slice3A_39 : vector<256x128xi32>
    %slice3A_41 = vector.extract_strided_slice %get3A_1 {offsets = [5376, 0], sizes = [256, 128], strides = [1, 1]} : vector<8192x128xi32> to vector<256x128xi32>
    %add3A_42 = arith.addi %add3A_40, %slice3A_41 : vector<256x128xi32>
    %slice3A_43 = vector.extract_strided_slice %get3A_1 {offsets = [5632, 0], sizes = [256, 128], strides = [1, 1]} : vector<8192x128xi32> to vector<256x128xi32>
    %add3A_44 = arith.addi %add3A_42, %slice3A_43 : vector<256x128xi32>
    %slice3A_45 = vector.extract_strided_slice %get3A_1 {offsets = [5888, 0], sizes = [256, 128], strides = [1, 1]} : vector<8192x128xi32> to vector<256x128xi32>
    %add3A_46 = arith.addi %add3A_44, %slice3A_45 : vector<256x128xi32>
    %slice3A_47 = vector.extract_strided_slice %get3A_1 {offsets = [6144, 0], sizes = [256, 128], strides = [1, 1]} : vector<8192x128xi32> to vector<256x128xi32>
    %add3A_48 = arith.addi %add3A_46, %slice3A_47 : vector<256x128xi32>
    %slice3A_49 = vector.extract_strided_slice %get3A_1 {offsets = [6400, 0], sizes = [256, 128], strides = [1, 1]} : vector<8192x128xi32> to vector<256x128xi32>
    %add3A_50 = arith.addi %add3A_48, %slice3A_49 : vector<256x128xi32>
    %slice3A_51 = vector.extract_strided_slice %get3A_1 {offsets = [6656, 0], sizes = [256, 128], strides = [1, 1]} : vector<8192x128xi32> to vector<256x128xi32>
    %add3A_52 = arith.addi %add3A_50, %slice3A_51 : vector<256x128xi32>
    %slice3A_53 = vector.extract_strided_slice %get3A_1 {offsets = [6912, 0], sizes = [256, 128], strides = [1, 1]} : vector<8192x128xi32> to vector<256x128xi32>
    %add3A_54 = arith.addi %add3A_52, %slice3A_53 : vector<256x128xi32>
    %slice3A_55 = vector.extract_strided_slice %get3A_1 {offsets = [7168, 0], sizes = [256, 128], strides = [1, 1]} : vector<8192x128xi32> to vector<256x128xi32>
    %add3A_56 = arith.addi %add3A_54, %slice3A_55 : vector<256x128xi32>
    %slice3A_57 = vector.extract_strided_slice %get3A_1 {offsets = [7424, 0], sizes = [256, 128], strides = [1, 1]} : vector<8192x128xi32> to vector<256x128xi32>
    %add3A_58 = arith.addi %add3A_56, %slice3A_57 : vector<256x128xi32>
    %slice3A_59 = vector.extract_strided_slice %get3A_1 {offsets = [7680, 0], sizes = [256, 128], strides = [1, 1]} : vector<8192x128xi32> to vector<256x128xi32>
    %add3A_60 = arith.addi %add3A_58, %slice3A_59 : vector<256x128xi32>
    %slice3A_61 = vector.extract_strided_slice %get3A_1 {offsets = [7936, 0], sizes = [256, 128], strides = [1, 1]} : vector<8192x128xi32> to vector<256x128xi32>
    %add3A_62 = arith.addi %add3A_60, %slice3A_61 : vector<256x128xi32>
    %slice3A_63 = vector.extract_strided_slice %add3A_62 {offsets = [0, 0], sizes = [64, 128], strides = [1, 1]} : vector<256x128xi32> to vector<64x128xi32>
    %slice3A_64 = vector.extract_strided_slice %add3A_62 {offsets = [64, 0], sizes = [64, 128], strides = [1, 1]} : vector<256x128xi32> to vector<64x128xi32>
    %add3A_65 = arith.addi %slice3A_63, %slice3A_64 : vector<64x128xi32>
    %slice3A_66 = vector.extract_strided_slice %add3A_62 {offsets = [128, 0], sizes = [64, 128], strides = [1, 1]} : vector<256x128xi32> to vector<64x128xi32>
    %add3A_67 = arith.addi %add3A_65, %slice3A_66 : vector<64x128xi32>
    %slice3A_68 = vector.extract_strided_slice %add3A_62 {offsets = [192, 0], sizes = [64, 128], strides = [1, 1]} : vector<256x128xi32> to vector<64x128xi32>
    %add3A_69 = arith.addi %add3A_67, %slice3A_68 : vector<64x128xi32>
    %convert_element_type3A = arith.sitofp %add3A_69 : vector<64x128xi32> to vector<64x128xf32>
    %iota3A = tpu.iota {dimensions = array<i32: 0>} : vector<128x8xi32>
    %jit3A = arith.constant 16 : i32
    %div3A = vector.broadcast %jit3A : i32 to vector<128x8xi32>
    %div3A_70 = arith.divsi %iota3A, %div3A : vector<128x8xi32>
    %sign3A = arith.constant 0 : i32
    %sign3A_71 = vector.broadcast %sign3A : i32 to vector<128x8xi32>
    %sign3A_72 = arith.cmpi sgt, %iota3A, %sign3A_71 : vector<128x8xi32>
    %sign3A_73 = arith.extui %sign3A_72 : vector<128x8xi1> to vector<128x8xi32>
    %sign3A_74 = arith.constant 0 : i32
    %sign3A_75 = vector.broadcast %sign3A_74 : i32 to vector<128x8xi32>
    %sign3A_76 = arith.cmpi slt, %iota3A, %sign3A_75 : vector<128x8xi32>
    %sign3A_77 = arith.extui %sign3A_76 : vector<128x8xi1> to vector<128x8xi32>
    %sign3A_78 = arith.subi %sign3A_73, %sign3A_77 : vector<128x8xi32>
    %sign3A_79 = arith.constant 0 : i32
    %sign3A_80 = arith.cmpi sgt, %jit3A, %sign3A_79 : i32
    %sign3A_81 = arith.extui %sign3A_80 : i1 to i32
    %sign3A_82 = arith.constant 0 : i32
    %sign3A_83 = arith.cmpi slt, %jit3A, %sign3A_82 : i32
    %sign3A_84 = arith.extui %sign3A_83 : i1 to i32
    %sign3A_85 = arith.subi %sign3A_81, %sign3A_84 : i32
    %ne3A = vector.broadcast %sign3A_85 : i32 to vector<128x8xi32>
    %ne3A_86 = arith.cmpi ne, %sign3A_78, %ne3A : vector<128x8xi32>
    %rem3A = vector.broadcast %jit3A : i32 to vector<128x8xi32>
    %rem3A_87 = arith.remsi %iota3A, %rem3A : vector<128x8xi32>
    %ne3A_88 = arith.constant 0 : i32
    %ne3A_89 = vector.broadcast %ne3A_88 : i32 to vector<128x8xi32>
    %ne3A_90 = arith.cmpi ne, %rem3A_87, %ne3A_89 : vector<128x8xi32>
    %and3A = arith.andi %ne3A_86, %ne3A_90 : vector<128x8xi1>
    %sub3A = arith.constant 1 : i32
    %sub3A_91 = vector.broadcast %sub3A : i32 to vector<128x8xi32>
    %sub3A_92 = arith.subi %div3A_70, %sub3A_91 : vector<128x8xi32>
    %select_n3A = arith.select %and3A, %sub3A_92, %div3A_70 : vector<128x8xi1>, vector<128x8xi32>
    %iota3A_93 = tpu.iota {dimensions = array<i32: 1>} : vector<128x8xi32>
    %eq3A = arith.cmpi eq, %select_n3A, %iota3A_93 : vector<128x8xi32>
    %convert_element_type3A_94 = arith.extui %eq3A : vector<128x8xi1> to vector<128x8xi32>
    %convert_element_type3A_95 = arith.sitofp %convert_element_type3A_94 : vector<128x8xi32> to vector<128x8xf32>
    %dot_general3A = arith.constant dense<0.000000e+00> : vector<64x8xf32>
    %dot_general3A_96 = tpu.matmul %convert_element_type3A, %convert_element_type3A_95, %dot_general3A {dimension_numbers = #tpu.dot_dimension_numbers<[1], [0], [0], [1], [0, 0, 1, 1], [], []>, precision = #tpu.contract_precision<fp32>, transpose_lhs_hint = false} : vector<64x128xf32>, vector<128x8xf32>, vector<64x8xf32> -> vector<64x8xf32>
    %slice3A_97 = vector.extract_strided_slice %dot_general3A_96 {offsets = [0, 0], sizes = [32, 8], strides = [1, 1]} : vector<64x8xf32> to vector<32x8xf32>
    %slice3A_98 = vector.extract_strided_slice %dot_general3A_96 {offsets = [32, 0], sizes = [32, 8], strides = [1, 1]} : vector<64x8xf32> to vector<32x8xf32>
    %reduce_sum3A = vector.shape_cast %slice3A_97 : vector<32x8xf32> to vector<1x32x8xf32>
    %reduce_sum3A_99 = arith.constant dense<0.000000e+00> : vector<1xf32>
    %reduce_sum3A_100 = vector.multi_reduction <add>, %reduce_sum3A, %reduce_sum3A_99 [1, 2] : vector<1x32x8xf32> to vector<1xf32>
    %reduce_sum3A_101 = vector.shape_cast %reduce_sum3A_100 : vector<1xf32> to vector<1x1x1xf32>
    %reduce_sum3A_102 = vector.extract %reduce_sum3A_101[0, 0, 0] : f32 from vector<1x1x1xf32>
    %div3A_103 = vector.broadcast %reduce_sum3A_102 : f32 to vector<32x8xf32>
    %div3A_104 = arith.divf %slice3A_97, %div3A_103 : vector<32x8xf32>
    %reduce_sum3A_105 = vector.shape_cast %slice3A_98 : vector<32x8xf32> to vector<1x32x8xf32>
    %reduce_sum3A_106 = arith.constant dense<0.000000e+00> : vector<1xf32>
    %reduce_sum3A_107 = vector.multi_reduction <add>, %reduce_sum3A_105, %reduce_sum3A_106 [1, 2] : vector<1x32x8xf32> to vector<1xf32>
    %reduce_sum3A_108 = vector.shape_cast %reduce_sum3A_107 : vector<1xf32> to vector<1x1x1xf32>
    %reduce_sum3A_109 = vector.extract %reduce_sum3A_108[0, 0, 0] : f32 from vector<1x1x1xf32>
    %div3A_110 = vector.broadcast %reduce_sum3A_109 : f32 to vector<32x8xf32>
    %div3A_111 = arith.divf %slice3A_98, %div3A_110 : vector<32x8xf32>
    %sub3A_112 = arith.subf %div3A_104, %div3A_111 : vector<32x8xf32>
    %abs3A = math.absf %sub3A_112 : vector<32x8xf32>
    %reduce_sum3A_113 = vector.shape_cast %abs3A : vector<32x8xf32> to vector<1x32x8xf32>
    %reduce_sum3A_114 = arith.constant dense<0.000000e+00> : vector<1xf32>
    %reduce_sum3A_115 = vector.multi_reduction <add>, %reduce_sum3A_113, %reduce_sum3A_114 [1, 2] : vector<1x32x8xf32> to vector<1xf32>
    %reduce_sum3A_116 = vector.shape_cast %reduce_sum3A_115 : vector<1xf32> to vector<1x1x1xf32>
    %reduce_sum3A_117 = vector.extract %reduce_sum3A_116[0, 0, 0] : f32 from vector<1x1x1xf32>
    %div3A_118 = arith.constant 2.560000e+02 : f32
    %div3A_119 = arith.divf %reduce_sum3A_117, %div3A_118 : f32
    %reshape3A = vector.broadcast %div3A_119 : f32 to vector<1x1xf32>
    %swap3A = arith.constant 0 : index
    %swap3A_120 = arith.constant 0 : index
    %swap3A_121 = vector.load %arg1[%swap3A, %swap3A_120] : memref<1x1xf32, #tpu.memory_space<vmem>>, vector<1x1xf32>
    tpu.vector_store %arg1[%swap3A, %swap3A_120], %reshape3A {strides = array<i32>} : memref<1x1xf32, #tpu.memory_space<vmem>>, vector<1x1xf32>,
    return
  }
}

</mosaic_0001>

<sc_bundles>
// kernel: kernel.4.cloned.1.call-start
scs
__scs_entry_jumppad:
0x0: {  	(pc) =	sbr.rel $0x88, $3  }
0x1: {  	(tag) =	ssettag $0x0;
	lr =	simm.s32 $0x1  }
0x2: {  	[smem:$0x3F9F] =	sst lr;
	_ =	strace $0xD0000000  }
0x3: {  	_ = 	snop  }
0x4: {  	_ = 	snop  }
0x5: {  	_ = 	snop  }
0x6: {  	_ = 	snop  }
0x7: {  	_ = 	snop  }
__scs_overlays_trampoline_lowered:
0x8: {  	[smem:$0x3FAE] =	sst s0  }
0x9: {  	[smem:$0x3FAF] =	sst s1  }
0xa: {  	[smem:$0x3FB0] =	sst s2  }
0xb: {  	[smem:$0x3FB1] =	sst s3  }
0xc: {  	[smem:$0x3FB2] =	sst s4  }
0xd: {  	[smem:$0x3FB3] =	sst s5  }
0xe: {  	[smem:$0x3FB4] =	sst s6  }
0xf: {  	[smem:$0x3FB5] =	sst s7  }
0x10: {  	[smem:$0x3FB6] =	sst s8  }
0x11: {  	[smem:$0x3FB7] =	sst s9;
	s0 =	simm.s32 @!p0 $0x0  }
0x12: {  	s1 =	sld [smem:$0x3F9D];
	s0 =	simm.s32 @p0 $0x1  }
0x13: {  	[smem:$0x3FB8] =	sst s0;
	s0 =	simm.s32 @!p1 $0x0  }
0x14: {  	s2 =	sld [smem:$0x3F9C];
	s0 =	simm.s32 @p1 $0x1  }
0x15: {  	[smem:$0x3FB9] =	sst s0;
	s0 =	simm.s32 @!p2 $0x0  }
0x16: {  	s3 =	sld [smem:$0x3FDB];
	s0 =	simm.s32 @p2 $0x1  }
0x17: {  	s4 =	simm.s32 $0x1BF5;
	[smem:$0x3FBB] =	sst s0  }
0x18: {  	s0 =	sld [smem:$0x3F9E];
	_ =	swait.ge [sflag:s4], $0x0  }
0x19: {  	s7 =	sld [smem:$0x3F9F]  }
0x1a: {  	s8 =	sadd.s32 $0xFFFFE003, lr  }
0x1b: {  	s9 =	sadd.s32 $0xFFFFFEF7, lr;
	s5 =	simm.s32 $0xFFFFFFFF;
	p2 =	slt.u32 s8, $0xFFFFF086  }
0x1c: {  	p1 =	slt.u32 s9, $0xF7A;
	s5 =	simm.s32 @!p2 $0x0  }
0x1d: {  	s5 =	simm.s32 @p1 $0x1;
	p0 =	seq.s32 s7, s2  }
0x1e: {  	s7 =	smul.u32 @!p0 $0xF7A, s2;
	p2 =	seq.s32 @!p0 s5, $0x0  }
0x1f: {  	s9 =	smul.u32 $0xF7A, s1;
	s8 =	simm.s32 @!p0 $0x1BF5;
	p2 =	por !p2, p0  }
0x20: {  	[sflag:s8] =	ssyncset.s32 @!p0 $0xFFFFF086;
	s6 =	sadd.s32 @!p0 s3, s7;
	s7 =	simm.s32 @!p0 $0x108  }
0x21: {  	s3 =	sadd.s32 s3, s9;
	s6 =	sadd.s32 @!p0 $0x88, s6;
	s7 =	simm.s32 @p2 $0x1082  }
0x22: {  	[simem:s7], [sflag:s8] =	dma.local @!p0 [hbm:s6], $0xF7A  }
0x23: {  	s9 =	sor.u32 $0xD0000000, s2;
	s6 =	simm.s32 $0x108;
	_ =	swait.ge @!p0 [sflag:s8], $0x0  }
0x24: {  	s3 =	sadd.s32 $0x88, s3;
	s6 =	simm.s32 @!p1 $0x1082;
	[sflag:s4] =	ssyncset.s32 $0xFFFFF086  }
0x25: {  	[simem:s6], [sflag:s4] =	dma.local [hbm:s3], $0xF7A  }
0x26: {  	[smem:$0x3F9F] =	sst s1;
	(tag) =	ssettag s2;
	_ =	strace s9  }
0x27: {  	s1 =	sld [smem:$0x3FAF]  }
0x28: {  	s2 =	sld [smem:$0x3FB0]  }
0x29: {  	s4 =	sld [smem:$0x3FB2]  }
0x2a: {  	p0 =	seq.s32 s5, $0x0;
	s5 =	sld [smem:$0x3FB3]  }
0x2b: {  	s6 =	sld [smem:$0x3FB4]  }
0x2c: {  	s7 =	sld [smem:$0x3FB5]  }
0x2d: {  	s3 =	simm.s32 $0x108;
	s8 =	sld [smem:$0x3FB6]  }
0x2e: {  	s3 =	simm.s32 @!p0 $0x1082;
	s9 =	sld [smem:$0x3FB7]  }
0x2f: {  	lr =	sadd.s32 s0, s3;
	s0 =	sld [smem:$0x3FAE]  }
0x30: {  	s3 =	sld [smem:$0x3FB1]  }
0x31: {  	[smem:$0x3FBA] =	sst s10  }
0x32: {  	s10 =	sld [smem:$0x3FB8];
	_ =	sdelay $0x3  }
0x33: {  	p0 =	seq.s32 s10, $0x1;
	s10 =	sld [smem:$0x3FBA];
	_ =	sdelay $0x3  }
0x34: {  	[smem:$0x3FBA] =	sst s10  }
0x35: {  	s10 =	sld [smem:$0x3FB9];
	_ =	sdelay $0x3  }
0x36: {  	p1 =	seq.s32 s10, $0x1;
	s10 =	sld [smem:$0x3FBA];
	_ =	sdelay $0x3  }
0x37: {  	[smem:$0x3FBA] =	sst s10  }
0x38: {  	s10 =	sld [smem:$0x3FBB]  }
0x39: {  	_ = 	snop;
	(pc) =	sbr.ind lr, $3  }
0x3a: {  	_ = 	snop  }
0x3b: {  	_ = 	snop  }
0x3c: {  	p2 =	seq.s32 s10, $0x1;
	s10 =	sld [smem:$0x3FBA]  }
0x3d: {  	_ =	shalt  }
0x3e: {  	_ =	shalt  }
0x3f: {  	_ =	shalt  }
0x40: {  	_ =	shalt  }
0x41: {  	_ =	shalt  }
0x42: {  	_ =	shalt  }
0x43: {  	_ =	shalt  }
0x44: {  	_ =	shalt  }
0x45: {  	_ =	shalt  }
0x46: {  	_ =	shalt  }
0x47: {  	_ =	shalt  }
0x48: {  	_ =	shalt  }
0x49: {  	_ =	shalt  }
0x4a: {  	_ =	shalt  }
0x4b: {  	_ =	shalt  }
0x4c: {  	_ =	shalt  }
0x4d: {  	_ =	shalt  }
0x4e: {  	_ =	shalt  }
0x4f: {  	_ =	shalt  }
0x50: {  	_ =	shalt  }
0x51: {  	_ =	shalt  }
0x52: {  	_ =	shalt  }
0x53: {  	_ =	shalt  }
0x54: {  	_ =	shalt  }
0x55: {  	_ =	shalt  }
0x56: {  	_ =	shalt  }
0x57: {  	_ =	shalt  }
0x58: {  	_ =	shalt  }
0x59: {  	_ =	shalt  }
0x5a: {  	_ =	shalt  }
0x5b: {  	_ =	shalt  }
0x5c: {  	_ =	shalt  }
0x5d: {  	_ =	shalt  }
0x5e: {  	_ =	shalt  }
0x5f: {  	_ =	shalt  }
0x60: {  	_ =	shalt  }
0x61: {  	_ =	shalt  }
0x62: {  	_ =	shalt  }
0x63: {  	_ =	shalt  }
0x64: {  	_ =	shalt  }
0x65: {  	_ =	shalt  }
0x66: {  	_ =	shalt  }
0x67: {  	_ =	shalt  }
0x68: {  	_ =	shalt  }
0x69: {  	_ =	shalt  }
0x6a: {  	_ =	shalt  }
0x6b: {  	_ =	shalt  }
0x6c: {  	_ =	shalt  }
0x6d: {  	_ =	shalt  }
0x6e: {  	_ =	shalt  }
0x6f: {  	_ =	shalt  }
0x70: {  	_ =	shalt  }
0x71: {  	_ =	shalt  }
0x72: {  	_ =	shalt  }
0x73: {  	_ =	shalt  }
0x74: {  	_ =	shalt  }
0x75: {  	_ =	shalt  }
0x76: {  	_ =	shalt  }
0x77: {  	_ =	shalt  }
0x78: {  	_ =	shalt  }
0x79: {  	_ =	shalt  }
0x7a: {  	_ =	shalt  }
0x7b: {  	_ =	shalt  }
0x7c: {  	_ =	shalt  }
0x7d: {  	_ =	shalt  }
0x7e: {  	_ =	shalt  }
0x7f: {  	_ =	shalt  }
0x80: {  	_ =	shalt  }
0x81: {  	_ =	shalt  }
0x82: {  	_ =	shalt  }
0x83: {  	_ =	shalt  }
0x84: {  	_ =	shalt  }
0x85: {  	_ =	shalt  }
0x86: {  	_ =	shalt  }
0x87: {  	_ =	shalt  }
.Lfunc_end0:
.L_simem_size_0:
called_computation_lowered:
.L_overlay_start_0:
0x88: {  	s2 =	sld [smem:$0x3FD9]  }
0x89: {  	s3 =	sld [smem:$0x3FFE];
	_ =	sdelay $0x1  }
0x8a: {  	s1 =	srdreg.scid  }
0x8b: {  	s0 =	sand.u32 $0x1, s1  }
0x8c: {  	s17 =	sshll.u32 s0, $0xA;
	s2 =	sadd.s32 s3, s2  }
0x8d: {  	s2 =	sadd.s32 s2, s17  }
0x8e: {  	[smem:$0x3FC6] =	sst s2  }
0x8f: {  	_ = 	snop  }
0x90: {  	s2 =	sld [smem:$0x3FC9]  }
0x91: {  	s18 =	sld [smem:$0x3FC8];
	(tm) =	ssettm $0x1  }
0x92: {  	s4 =	sld [smem:$0x3FFB];
	_ =	sdelay $0x3  }
0x93: {  	_ =	strace s4  }
0x94: {  	s4 =	sld [smem:$0x3FFC];
	_ =	sdelay $0x3  }
0x95: {  	_ =	strace s4  }
0x96: {  	s4 =	sld [smem:$0x3FFD];
	_ =	sdelay $0x3  }
0x97: {  	_ =	strace s4  }
0x98: {  	_ =	strace $0x8FFFFFFF  }
0x99: {  	s19 =	sld [smem:$0x3FDB];
	_ =	sdelay $0x1  }
0x9a: {  	s5 =	simm.s32 $_scs_section_size  }
0x9b: {  	s6 =	simm.s32 $_size__tile_overlayer_lowered;
	s7 =	simm.s32 $_tile_overlayer_lowered  }
0x9c: {  	s22 =	simm.s32 $0x1BFF;
	s21 =	sshll.u32 s7, $0x1;
	s4 =	sadd.s32 s5, s19  }
0x9d: {  	s8 =	simm.s32 $0x0;
	s20 =	sshll.u32 s6, $0x1;
	s6 =	sadd.s32 s21, s4  }
0x9e: {  	[timem:s8], [sflag:s22] =	dma.local [hbm:s6], s20  }
0x9f: {  	_ =	swait.ge [sflag:s22], s20  }
0xa0: {  	s5 =	ssub.s32 $0x0, s20;
	[sflag:s22] =	ssyncset.done $0x0  }
0xa1: {  	[sflag:s22] =	ssyncadd.s32 s5;
	_ =	sdelay $0x1  }
0xa2: {  	s23 =	simm.s32 $0x1B8B  }
0xa3: {  	_ =	swait.ge [sflag:s23], $0x1  }
0xa4: {  	[sflag:s23] =	ssyncset.done $0x0  }
0xa5: {  	s25 =	simm.s32 $0x1B8E;
	s24 =	sld [smem:$0x3FFE];
	[sflag:s23] =	ssyncadd.s32 $0xFFFFFFFF  }
0xa6: {  	s26 =	simm.s32 $execute0_lowered;
	[smem:$0x3FD2] =	sst s25  }
0xa7: {  	s6 =	sshll.u32 s26, $0x1;
	_ =	strace $0x80000046;
	[dreg:$0x1] =	wrdreg $0xFFFFFFFF  }
0xa8: {  	s28 =	simm.s32 $_size_execute0_lowered;
	s4 =	sadd.s32 s4, s6;
	[dreg:$0x0] =	wrdreg $0x0  }
0xa9: {  	s6 =	sshll.u32 s28, $0x1;
	[dreg:$0x2] =	wrdreg s4  }
0xaa: {  	[dreg:$0x3] =	wrdreg s6  }
0xab: {  	[dreg:$0x4] =	wrdreg $0xC0  }
0xac: {  	_ =	task [dreg:s8], $0x5FFFF  }
0xad: {  	[dreg:$0x1] =	wrdreg $0xFFFFFFFF  }
0xae: {  	[dreg:$0x0] =	wrdreg $0x60  }
0xaf: {  	[dreg:$0x2] =	wrdreg s2  }
0xb0: {  	[dreg:$0x3] =	wrdreg s18  }
0xb1: {  	[dreg:$0x4] =	wrdreg s24  }
0xb2: {  	[dreg:$0x5] =	wrdreg $0x9  }
0xb3: {  	_ =	task.clear_ibuf [dreg:s8], $0x6FFFF;
	_ =	strace $0x90000046  }
0xb4: {  	s29 =	simm.s32 $0x9;
	_ =	strace $0x80000048  }
0xb5: {  	_ =	swait.ge [sflag:s29], $0x1  }
0xb6: {  	[sflag:s29] =	ssyncadd.s32 $0xFFFFFFFF  }
0xb7: {  	_ =	strace $0x90000048  }
0xb8: {  	_ =	sfence  }
0xb9: {  	s30 =	sld [smem:$0x0];
	_ =	sdelay $0x2  }
0xba: {  	s31 =	sshll.u32 s1, $0xD;
	s1 =	sshrl.u32 s1, $0x2  }
0xbb: {  	s3 =	sand.u32 $0x4000, s31;
	s1 =	sadd.s32 s1, s30  }
0xbc: {  	s0 =	sor.u32 s3, s0;
	s1 =	sshll.u32 s1, $0x11  }
0xbd: {  	s0 =	sor.u32 s1, s0  }
0xbe: {  	s0 =	sadd.s32 $0x8F2B, s0  }
0xbf: {  	[sflag:s0] =	ssyncadd.remote.s32 $0x1  }
0xc0: {  	_ =	sfence.sel $0xFFFF  }
0xc1: {  	[dreg:$0x0] =	wrdreg $0xFFFFFFFF;
	(pc) =	sbr.abs _section_cstart, $3  }
0xc2: {  	[dreg:$0x1] =	wrdreg $0xFFFFFFFF  }
0xc3: {  	_ =	task.clear_ibuf [dreg:s8], $0x2FFFF;
	_ =	strace $0x9FFFFFFF  }
0xc4: {  	(tm) =	ssettm $0x7FFFFFFF  }
0xc5: {  	_ =	shalt  }
tec
execute0_lowered:
.L_overlay_start_1:
0x0: {  	(tag) =	ssettag $0x1  }
0x1: {  	s1 =	rddreg [dreg:$0x0]  }
0x2: {  	s3 =	rddreg [dreg:$0x1]  }
0x3: {  	s2 =	srdreg.scid;
	s0 =	stileid.u32  }
0x4: {  	s5 =	rddreg [dreg:$0x2];
	s4 =	simm.s32 $0x0;
	s14 =	simm.s32 $0x8000  }
0x5: {  	s15 =	simm.s32 $0x4000;
	s16 =	simm.s32 $0xC000;
	s17 =	simm.s32 $0x1  }
0x6: {  	s18 =	simm.s32 $0x3;
	s19 =	simm.s32 $0x10000;
	s20 =	simm.s32 $0x12000  }
0x7: {  	s21 =	simm.s32 $0x14000;
	s22 =	simm.s32 $0x16000;
	s23 =	simm.s32 $0x2  }
0x8: {  	s24 =	simm.s32 $0x4;
	s2 =	sand.u32 $0x1, s2;
	s6 =	sshll.u32 s0, $0x1  }
0x9: {  	s25 =	simm.s32 $0x5;
	s26 =	simm.s32 $0x0;
	s6 =	sor.u32 s2, s6  }
0xa: {  	[smem:$0x7FF] =	sst s4;
	s2 =	ssub.s32 $0x2, s2;
	s8 =	smul.u32 $0x60000, s6  }
0xb: {  	_ =	strace $0x80000047;
	s6 =	sshll.u32 s6, $0xC;
	s7 =	sshrl.u32 s2, $0x1  }
0xc: {  	s12 =	sadd.s32 s6, s5;
	s2 =	ssub.s32 s2, s7;
	s9 =	sshrl.u32 s8, $0x3  }
0xd: {  	s7 =	sor.u32 $0x4000, s8;
	s8 =	sor.u32 $0x8000, s8;
	s10 =	sadd.s32 $0xA00, s12  }
0xe: {  	v0 =	vlaneseq.u32;
	s11 =	sadd.s32 $0xE00, s12;
	s13 =	smax.u32 s2, $0x1;
	s5 =	sadd.s32 s1, s9  }
0xf: {  	v1 =	vimm.s32 $0x0;
	v3 =	vimm.s32 $0x1;
	v2 =	vor.u32 $0x1000, v0;
	s6 =	sadd.s32 s3, s9;
	s9 =	sadd.s32 $0x600, s12;
	s12 =	sadd.s32 $0x1200, s12  }
.LBB2_1:
0x10: {  	s28 =	simm.s32 $0x40;
	s2 =	simm.s32 $0x0  }
.LBB2_2:
0x11: {  	p0 =	sne.s32 s28, $0x7FC0;
	[tilespmem:s2+$0x16000] =	vst v1;
	s29 =	smov.u32 s28;
	s28 =	sadd.s32 $0x40, s28  }
.Ltmp0:
0x12: {  	[tilespmem:s2+$0x14000] =	vst v1;
	(pc) =	sbr.rel @p0 .LBB2_2-.Ltmp0, $3  }
0x13: {  	[tilespmem:s2+$0x10000] =	vst v1  }
0x14: {  	[tilespmem:s2+$0x12000] =	vst v1;
	_ =	sdelay $0x1  }
0x15: {  	s2 =	sshra.s32 s29, $0x2  }
0x16: {  	[tilespmem:s2+$0x16000] =	vst v1  }
0x17: {  	[tilespmem:s2+$0x14000] =	vst v1  }
0x18: {  	[tilespmem:s2+$0x10000] =	vst v1  }
0x19: {  	[tilespmem:s2+$0x12000] =	vst v1;
	s28 =	simm.s32 $0x0  }
0x1a: {  	[tilespmem:s28], [sflag:$0x1] =	stream.linear.gather [hbm4b:s5+s28], $0x4000, $0x38;
	[tilespmem:$0x18000] =	vst v63  }
0x1b: {  	_ = 	snop  }
0x1c: {  	[tilespmem:s14], [sflag:$0x3] =	stream.linear.gather [hbm4b:s6+s28], $0x4000, $0x38;
	[tilespmem:$0x18000] =	vst v63  }
.LBB2_4:
0x1d: {  	s29 =	sshll.u32 s28, $0xF  }
0x1e: {  	s2 =	sadd.s32 s29, s7  }
0x1f: {  	s2 =	sshrl.u32 s2, $0x3  }
0x20: {  	s30 =	sadd.s32 s1, s2  }
0x21: {  	[tilespmem:s15], [sflag:$0x2] =	stream.linear.gather [hbm4b:s30+s4], $0x4000, $0x38;
	[tilespmem:$0x18000] =	vst v63  }
0x22: {  	s2 =	sadd.s32 s3, s2  }
0x23: {  	[tilespmem:s16], [sflag:$0x4] =	stream.linear.gather [hbm4b:s2+s4], $0x4000, $0x38;
	[tilespmem:$0x18000] =	vst v63  }
0x24: {  	_ =	swait.ge [sflag:s17], $0x4000  }
0x25: {  	[sflag:s17] =	ssyncset.done $0x0  }
0x26: {  	[sflag:s17] =	ssyncadd.s32 $0xFFFFC000  }
0x27: {  	_ =	swait.ge [sflag:s18], $0x4000  }
0x28: {  	[sflag:s18] =	ssyncset.done $0x0  }
0x29: {  	s2 =	simm.s32 $0x40;
	[sflag:s18] =	ssyncadd.s32 $0xFFFFC000  }
0x2a: {  	s30 =	simm.s32 $0x8040;
	v4 =	vld [tilespmem:s2+$0x20]  }
0x2b: {  	v5 =	vld [tilespmem:s30+$0x30]  }
0x2c: {  	v6 =	vld [tilespmem:s2+$0x0]  }
0x2d: {  	v7 =	vld [tilespmem:s2+$0xFFFFFFF0]  }
0x2e: {  	v8 =	vld [tilespmem:s2+$0xFFFFFFE0]  }
0x2f: {  	v9 =	vld [tilespmem:s2+$0xFFFFFFC0]  }
0x30: {  	v10 =	vld [tilespmem:s2+$0xFFFFFFD0];
	_ =	sdelay $0x1  }
0x31: {  	v11 =	vld [tilespmem:s2+$0x30];
	v6 =	vadd.f32 $1.000000000e+00, v6;
	v13 =	vadd.f32 $1.000000000e+00, v4  }
0x32: {  	v12 =	vld [tilespmem:s30+$0xFFFFFFC0];
	v4 =	vadd.f32 $1.000000000e+00, v7;
	v5 =	vadd.f32 $1.000000000e+00, v5  }
0x33: {  	v7 =	vadd.f32 $1.000000000e+00, v8;
	v8 =	vadd.f32 $1.000000000e+00, v9  }
0x34: {  	v10 =	vadd.f32 $1.000000000e+00, v10;
	v6 =	vshrl.u32 v6, $0xB;
	v4 =	vshrl.u32 v4, $0xB  }
0x35: {  	v15 =	vld [tilespmem:s30+$0x10];
	v7 =	vshrl.u32 v7, $0xB;
	v5 =	vshrl.u32 v5, $0xB;
	v8 =	vshrl.u32 v8, $0xB  }
0x36: {  	v10 =	vshrl.u32 v10, $0xB;
	v9 =	vand.u32 $0xFF0, v6;
	v6 =	vld [tilespmem:s30+$0xFFFFFFD0];
	v14 =	vand.u32 $0xFF0, v4  }
0x37: {  	v4 =	vadd.f32 $1.000000000e+00, v11;
	v11 =	vadd.f32 $1.000000000e+00, v12;
	v8 =	vand.u32 $0xFF0, v8;
	v12 =	vld [tilespmem:s30+$0x20]  }
0x38: {  	v19 =	vld [tilespmem:s30+$0xFFFFFFF0];
	v7 =	vand.u32 $0xFF0, v7;
	v16 =	vor.u32 v0, v8;
	v8 =	vand.u32 $0xFF0, v10  }
0x39: {  	v17 =	vld [tilespmem:s30+$0x0];
	v13 =	vshrl.u32 v13, $0xB;
	v20 =	vor.u32 v0, v7;
	v18 =	vor.u32 v0, v8  }
0x3a: {  	v10 =	vshrl.u32 v4, $0xB;
	v4 =	vand.u32 $0xFF0, v5;
	v8 =	vshrl.u32 v11, $0xB  }
0x3b: {  	v11 =	vld [tilespmem:s30+$0xFFFFFFE0];
	v5 =	vadd.f32 $1.000000000e+00, v6;
	v6 =	vand.u32 $0xFF0, v10;
	v10 =	vor.u32 v0, v14  }
0x3c: {  	v21 =	vor.u32 v0, v9;
	v7 =	vand.u32 $0xFF0, v8;
	v14 =	vld [tilespmem:s2+$0x10];
	v9 =	vadd.f32 $1.000000000e+00, v12  }
0x3d: {  	v12 =	vadd.f32 $1.000000000e+00, v19;
	[tilespmem:v16+s19+$0x0] =	vst.idx.add.s32.msk $0xffff, v3;
	v8 =	vshrl.u32 v5, $0xB;
	v5 =	vor.u32 v2, v7  }
0x3e: {  	v7 =	vand.u32 $0xFF0, v13;
	v13 =	vadd.f32 $1.000000000e+00, v15;
	v15 =	vadd.f32 $1.000000000e+00, v17;
	[tilespmem:v18+s20+$0x0] =	vst.idx.add.s32.msk $0xffff, v3  }
0x3f: {  	v9 =	vshrl.u32 v9, $0xB;
	v8 =	vand.u32 $0xFF0, v8;
	v7 =	vor.u32 v0, v7;
	[tilespmem:v20+s21+$0x0] =	vst.idx.add.s32.msk $0xffff, v3  }
0x40: {  	v9 =	vand.u32 $0xFF0, v9;
	v13 =	vshrl.u32 v13, $0xB;
	v15 =	vshrl.u32 v15, $0xB;
	[tilespmem:v10+s22+$0x0] =	vst.idx.add.s32.msk $0xffff, v3  }
0x41: {  	s31 =	simm.s32 $0x0;
	s2 =	simm.s32 $0xC0;
	v10 =	vand.u32 $0xFF0, v13;
	v14 =	vadd.f32 $1.000000000e+00, v14;
	v13 =	vand.u32 $0xFF0, v15;
	[tilespmem:v21+s19+$0x0] =	vst.idx.add.s32.msk $0xffff, v3  }
.LBB2_5:
0x42: {  	v15 =	vld [tilespmem:s2+$0xFFFFFFD0];
	s31 =	sadd.s32 $0x80, s31;
	s30 =	sadd.s32 $0x80, s30  }
0x43: {  	v16 =	vld [tilespmem:s30+$0xFFFFFFC0];
	p0 =	slt.u32 s31, $0x3F80;
	v14 =	vshrl.u32 v14, $0xB  }
0x44: {  	v17 =	vld [tilespmem:s2+$0x30];
	v14 =	vand.u32 $0xFF0, v14  }
0x45: {  	v18 =	vld [tilespmem:s2+$0x20]  }
0x46: {  	v14 =	vor.u32 v0, v14;
	v19 =	vld [tilespmem:s30+$0x30]  }
0x47: {  	v11 =	vadd.f32 $1.000000000e+00, v11;
	v20 =	vld [tilespmem:s2+$0x0]  }
0x48: {  	v6 =	vor.u32 v0, v6;
	v21 =	vld [tilespmem:s2+$0xFFFFFFF0]  }
0x49: {  	v8 =	vor.u32 v2, v8;
	v11 =	vshrl.u32 v11, $0xB;
	v22 =	vld [tilespmem:s2+$0xFFFFFFE0]  }
0x4a: {  	v12 =	vshrl.u32 v12, $0xB;
	v11 =	vand.u32 $0xFF0, v11;
	v23 =	vld [tilespmem:s2+$0xFFFFFFC0];
	v18 =	vadd.f32 $1.000000000e+00, v18  }
0x4b: {  	v12 =	vand.u32 $0xFF0, v12;
	v11 =	vor.u32 v2, v11;
	v19 =	vadd.f32 $1.000000000e+00, v19;
	[tilespmem:v14+s20+$0x0] =	vst.idx.add.s32.msk $0xffff, v3  }
0x4c: {  	v12 =	vor.u32 v2, v12;
	v14 =	vadd.f32 $1.000000000e+00, v20;
	v20 =	vor.u32 v2, v4;
	[tilespmem:v7+s21+$0x0] =	vst.idx.add.s32.msk $0xffff, v3  }
0x4d: {  	v9 =	vor.u32 v2, v9;
	v7 =	vor.u32 v2, v13;
	v4 =	vadd.f32 $1.000000000e+00, v21;
	[tilespmem:v6+s22+$0x0] =	vst.idx.add.s32.msk $0xffff, v3  }
0x4e: {  	v10 =	vor.u32 v2, v10;
	v6 =	vadd.f32 $1.000000000e+00, v22;
	v13 =	vshrl.u32 v14, $0xB;
	[tilespmem:v5+s19+$0x0] =	vst.idx.add.s32.msk $0xffff, v3  }
0x4f: {  	v5 =	vld [tilespmem:s30+$0xFFFFFFD0];
	v14 =	vadd.f32 $1.000000000e+00, v23;
	v4 =	vshrl.u32 v4, $0xB;
	v13 =	vand.u32 $0xFF0, v13  }
0x50: {  	v19 =	vshrl.u32 v19, $0xB;
	v6 =	vshrl.u32 v6, $0xB;
	v21 =	vand.u32 $0xFF0, v4;
	[tilespmem:v8+s20+$0x0] =	vst.idx.add.s32.msk $0xffff, v3  }
0x51: {  	v4 =	vadd.f32 $1.000000000e+00, v15;
	v8 =	vadd.f32 $1.000000000e+00, v17;
	v14 =	vshrl.u32 v14, $0xB;
	[tilespmem:v11+s21+$0x0] =	vst.idx.add.s32.msk $0xffff, v3  }
0x52: {  	v11 =	vadd.f32 $1.000000000e+00, v16;
	v15 =	vand.u32 $0xFF0, v6;
	v14 =	vand.u32 $0xFF0, v14;
	[tilespmem:v12+s22+$0x0] =	vst.idx.add.s32.msk $0xffff, v3  }
0x53: {  	v12 =	vshrl.u32 v4, $0xB;
	v6 =	vshrl.u32 v8, $0xB;
	v4 =	vand.u32 $0xFF0, v19;
	[tilespmem:v7+s19+$0x0] =	vst.idx.add.s32.msk $0xffff, v3  }
0x54: {  	v6 =	vand.u32 $0xFF0, v6;
	v7 =	vadd.f32 $1.000000000e+00, v5;
	v5 =	vshrl.u32 v11, $0xB;
	[tilespmem:v10+s20+$0x0] =	vst.idx.add.s32.msk $0xffff, v3  }
0x55: {  	v5 =	vand.u32 $0xFF0, v5;
	[tilespmem:v9+s21+$0x0] =	vst.idx.add.s32.msk $0xffff, v3  }
0x56: {  	v9 =	vshrl.u32 v18, $0xB;
	v5 =	vor.u32 v2, v5;
	v7 =	vshrl.u32 v7, $0xB;
	[tilespmem:v20+s22+$0x0] =	vst.idx.add.s32.msk $0xffff, v3  }
0x57: {  	v10 =	vld [tilespmem:s30+$0x20];
	v8 =	vand.u32 $0xFF0, v7;
	v7 =	vand.u32 $0xFF0, v9  }
0x58: {  	v14 =	vor.u32 v0, v14;
	v11 =	vand.u32 $0xFF0, v12;
	v9 =	vld [tilespmem:s30+$0x10];
	v7 =	vor.u32 v0, v7  }
0x59: {  	v16 =	vor.u32 v0, v11;
	v12 =	vld [tilespmem:s30+$0x0]  }
0x5a: {  	v15 =	vor.u32 v0, v15;
	v17 =	vld [tilespmem:s30+$0xFFFFFFF0]  }
0x5b: {  	v18 =	vor.u32 v0, v21;
	v11 =	vld [tilespmem:s30+$0xFFFFFFE0]  }
0x5c: {  	v20 =	vor.u32 v0, v13;
	v19 =	vld [tilespmem:s2+$0x10];
	v10 =	vadd.f32 $1.000000000e+00, v10  }
.Ltmp1:
0x5d: {  	v9 =	vadd.f32 $1.000000000e+00, v9;
	[tilespmem:v14+s19+$0x0] =	vst.idx.add.s32.msk $0xffff, v3;
	(pc) =	sbr.rel @p0 .LBB2_5-.Ltmp1, $4  }
0x5e: {  	v13 =	vadd.f32 $1.000000000e+00, v12;
	v10 =	vshrl.u32 v10, $0xB;
	[tilespmem:v16+s20+$0x0] =	vst.idx.add.s32.msk $0xffff, v3  }
0x5f: {  	v12 =	vadd.f32 $1.000000000e+00, v17;
	v14 =	vshrl.u32 v9, $0xB;
	v9 =	vand.u32 $0xFF0, v10;
	[tilespmem:v15+s21+$0x0] =	vst.idx.add.s32.msk $0xffff, v3  }
0x60: {  	v13 =	vshrl.u32 v13, $0xB;
	v10 =	vand.u32 $0xFF0, v14;
	[tilespmem:v18+s22+$0x0] =	vst.idx.add.s32.msk $0xffff, v3  }
0x61: {  	s2 =	sadd.s32 $0x80, s2;
	v14 =	vadd.f32 $1.000000000e+00, v19;
	v13 =	vand.u32 $0xFF0, v13;
	[tilespmem:v20+s19+$0x0] =	vst.idx.add.s32.msk $0xffff, v3  }
0x62: {  	_ = 	snop  }
0x63: {  	v14 =	vshrl.u32 v14, $0xB  }
0x64: {  	v14 =	vand.u32 $0xFF0, v14  }
0x65: {  	v14 =	vor.u32 v0, v14  }
0x66: {  	v11 =	vadd.f32 $1.000000000e+00, v11  }
0x67: {  	v6 =	vor.u32 v0, v6  }
0x68: {  	v11 =	vshrl.u32 v11, $0xB  }
0x69: {  	v8 =	vor.u32 v2, v8;
	v12 =	vshrl.u32 v12, $0xB;
	v11 =	vand.u32 $0xFF0, v11  }
0x6a: {  	v12 =	vand.u32 $0xFF0, v12;
	v11 =	vor.u32 v2, v11;
	[tilespmem:v14+s20+$0x0] =	vst.idx.add.s32.msk $0xffff, v3  }
0x6b: {  	v12 =	vor.u32 v2, v12;
	[tilespmem:v7+s21+$0x0] =	vst.idx.add.s32.msk $0xffff, v3  }
0x6c: {  	v7 =	vor.u32 v2, v13;
	[tilespmem:v6+s22+$0x0] =	vst.idx.add.s32.msk $0xffff, v3  }
0x6d: {  	v6 =	vor.u32 v2, v10;
	[tilespmem:v5+s19+$0x0] =	vst.idx.add.s32.msk $0xffff, v3  }
0x6e: {  	v5 =	vor.u32 v2, v9;
	[tilespmem:v8+s20+$0x0] =	vst.idx.add.s32.msk $0xffff, v3  }
0x6f: {  	v4 =	vor.u32 v2, v4;
	[tilespmem:v11+s21+$0x0] =	vst.idx.add.s32.msk $0xffff, v3  }
0x70: {  	[tilespmem:v12+s22+$0x0] =	vst.idx.add.s32.msk $0xffff, v3  }
0x71: {  	p0 =	seq.s32 s28, $0xB;
	[tilespmem:v7+s19+$0x0] =	vst.idx.add.s32.msk $0xffff, v3  }
0x72: {  	s2 =	sadd.s32 @!p0 s29, s8;
	[tilespmem:v6+s20+$0x0] =	vst.idx.add.s32.msk $0xffff, v3  }
0x73: {  	s2 =	sshrl.u32 @!p0 s2, $0x3;
	[tilespmem:v5+s21+$0x0] =	vst.idx.add.s32.msk $0xffff, v3  }
0x74: {  	s30 =	simm.s32 @!p0 $0x0;
	s29 =	sadd.s32 @!p0 s1, s2;
	[tilespmem:v4+s22+$0x0] =	vst.idx.add.s32.msk $0xffff, v3  }
0x75: {  	[tilespmem:s30], [sflag:$0x1] =	stream.linear.gather @!p0 [hbm4b:s29+s30], $0x4000, $0x38;
	[tilespmem:$0x18000] =	vst v63  }
0x76: {  	s2 =	sadd.s32 @!p0 s3, s2;
	s29 =	simm.s32 @!p0 $0x8000  }
0x77: {  	[tilespmem:s29], [sflag:$0x3] =	stream.linear.gather @!p0 [hbm4b:s2+s30], $0x4000, $0x38;
	[tilespmem:$0x18000] =	vst v63  }
0x78: {  	_ =	swait.ge [sflag:s23], $0x4000  }
0x79: {  	[sflag:s23] =	ssyncset.done $0x0  }
0x7a: {  	[sflag:s23] =	ssyncadd.s32 $0xFFFFC000  }
0x7b: {  	_ =	swait.ge [sflag:s24], $0x4000  }
0x7c: {  	[sflag:s24] =	ssyncset.done $0x0  }
0x7d: {  	s29 =	simm.s32 $0x0;
	[sflag:s24] =	ssyncadd.s32 $0xFFFFC000  }
0x7e: {  	v4 =	vld [tilespmem:s29+$0xC000]  }
0x7f: {  	v5 =	vld [tilespmem:s29+$0x4070]  }
0x80: {  	v6 =	vld [tilespmem:s29+$0x4040]  }
0x81: {  	v7 =	vld [tilespmem:s29+$0x4000]  }
0x82: {  	v8 =	vld [tilespmem:s29+$0x4010]  }
0x83: {  	v9 =	vld [tilespmem:s29+$0xC020]  }
0x84: {  	v10 =	vld [tilespmem:s29+$0xC030]  }
0x85: {  	v11 =	vld [tilespmem:s29+$0x4020]  }
0x86: {  	v12 =	vld [tilespmem:s29+$0x4030]  }
0x87: {  	v5 =	vadd.f32 $1.000000000e+00, v5;
	v4 =	vadd.f32 $1.000000000e+00, v4  }
0x88: {  	v6 =	vadd.f32 $1.000000000e+00, v6;
	v7 =	vadd.f32 $1.000000000e+00, v7  }
0x89: {  	v8 =	vadd.f32 $1.000000000e+00, v8;
	v9 =	vadd.f32 $1.000000000e+00, v9  }
0x8a: {  	v16 =	vadd.f32 $1.000000000e+00, v10;
	v19 =	vadd.f32 $1.000000000e+00, v11  }
0x8b: {  	v17 =	vadd.f32 $1.000000000e+00, v12;
	v5 =	vshrl.u32 v5, $0xB;
	v4 =	vshrl.u32 v4, $0xB  }
0x8c: {  	v18 =	vld [tilespmem:s29+$0xC040];
	v6 =	vshrl.u32 v6, $0xB;
	v7 =	vshrl.u32 v7, $0xB;
	v8 =	vshrl.u32 v8, $0xB  }
0x8d: {  	v15 =	vld [tilespmem:s29+$0x4050];
	v20 =	vshrl.u32 v16, $0xB;
	v5 =	vand.u32 $0xFF0, v5;
	v7 =	vand.u32 $0xFF0, v7  }
0x8e: {  	v14 =	vld [tilespmem:s29+$0x4060];
	v4 =	vand.u32 $0xFF0, v4;
	v6 =	vand.u32 $0xFF0, v6;
	v13 =	vor.u32 v0, v7  }
0x8f: {  	v10 =	vld [tilespmem:s29+$0xC050];
	v8 =	vand.u32 $0xFF0, v8;
	v5 =	vor.u32 v0, v5;
	v4 =	vor.u32 v2, v4  }
0x90: {  	v11 =	vld [tilespmem:s29+$0xC060];
	v6 =	vor.u32 v0, v6;
	v7 =	vshrl.u32 v9, $0xB;
	v12 =	vor.u32 v0, v8  }
0x91: {  	s30 =	simm.s32 $0x0;
	s2 =	simm.s32 $0x200;
	v16 =	vld [tilespmem:s29+$0xC010];
	v9 =	vadd.f32 $1.000000000e+00, v18;
	v18 =	vshrl.u32 v19, $0xB;
	v8 =	vand.u32 $0xFF0, v20  }
.LBB2_7:
0x92: {  	s30 =	sadd.s32 $0x80, s30;
	v19 =	vld [tilespmem:s29+$0xC070];
	s29 =	sshra.s32 s2, $0x2;
	v15 =	vadd.f32 $1.000000000e+00, v15;
	v17 =	vshrl.u32 v17, $0xB;
	v18 =	vand.u32 $0xFF0, v18  }
0x93: {  	p0 =	slt.u32 s30, $0x3F80;
	v14 =	vadd.f32 $1.000000000e+00, v14;
	[tilespmem:v13+s19+$0x0] =	vst.idx.add.s32.msk $0xffff, v3;
	v13 =	vor.u32 v0, v18;
	v17 =	vand.u32 $0xFF0, v17  }
0x94: {  	v18 =	vld [tilespmem:s29+$0xC000];
	v10 =	vadd.f32 $1.000000000e+00, v10;
	v15 =	vshrl.u32 v15, $0xB;
	v17 =	vor.u32 v0, v17  }
0x95: {  	v20 =	vld [tilespmem:s29+$0x4040];
	v11 =	vadd.f32 $1.000000000e+00, v11;
	v14 =	vshrl.u32 v14, $0xB;
	v15 =	vand.u32 $0xFF0, v15  }
0x96: {  	v21 =	vld [tilespmem:s29+$0x4070];
	v16 =	vadd.f32 $1.000000000e+00, v16;
	v15 =	vor.u32 v0, v15;
	v14 =	vand.u32 $0xFF0, v14  }
0x97: {  	v10 =	vshrl.u32 v10, $0xB;
	v19 =	vadd.f32 $1.000000000e+00, v19;
	[tilespmem:v12+s20+$0x0] =	vst.idx.add.s32.msk $0xffff, v3;
	v12 =	vor.u32 v0, v14  }
0x98: {  	v10 =	vand.u32 $0xFF0, v10;
	v11 =	vshrl.u32 v11, $0xB;
	v14 =	vshrl.u32 v16, $0xB;
	[tilespmem:v13+s21+$0x0] =	vst.idx.add.s32.msk $0xffff, v3  }
0x99: {  	v9 =	vshrl.u32 v9, $0xB;
	v13 =	vand.u32 $0xFF0, v14;
	v14 =	vshrl.u32 v19, $0xB;
	[tilespmem:v17+s22+$0x0] =	vst.idx.add.s32.msk $0xffff, v3  }
0x9a: {  	v7 =	vand.u32 $0xFF0, v7;
	v13 =	vor.u32 v2, v13;
	v14 =	vand.u32 $0xFF0, v14;
	[tilespmem:v6+s19+$0x0] =	vst.idx.add.s32.msk $0xffff, v3  }
0x9b: {  	v6 =	vor.u32 v2, v7;
	v7 =	vand.u32 $0xFF0, v9;
	[tilespmem:v15+s20+$0x0] =	vst.idx.add.s32.msk $0xffff, v3  }
0x9c: {  	v8 =	vor.u32 v2, v8;
	[tilespmem:v12+s21+$0x0] =	vst.idx.add.s32.msk $0xffff, v3  }
0x9d: {  	[tilespmem:v5+s22+$0x0] =	vst.idx.add.s32.msk $0xffff, v3  }
0x9e: {  	v7 =	vor.u32 v2, v7;
	v5 =	vand.u32 $0xFF0, v11;
	[tilespmem:v4+s19+$0x0] =	vst.idx.add.s32.msk $0xffff, v3  }
0x9f: {  	v10 =	vor.u32 v2, v10;
	v9 =	vadd.f32 $1.000000000e+00, v21;
	v4 =	vadd.f32 $1.000000000e+00, v20;
	[tilespmem:v13+s20+$0x0] =	vst.idx.add.s32.msk $0xffff, v3  }
0xa0: {  	v11 =	vadd.f32 $1.000000000e+00, v18;
	v12 =	vor.u32 v2, v5;
	[tilespmem:v6+s21+$0x0] =	vst.idx.add.s32.msk $0xffff, v3  }
0xa1: {  	v6 =	vshrl.u32 v4, $0xB;
	v4 =	vshrl.u32 v9, $0xB;
	v9 =	vor.u32 v2, v14;
	[tilespmem:v8+s22+$0x0] =	vst.idx.add.s32.msk $0xffff, v3  }
0xa2: {  	v5 =	vshrl.u32 v11, $0xB;
	v4 =	vand.u32 $0xFF0, v4;
	v8 =	vld [tilespmem:s29+$0x4000]  }
0xa3: {  	v11 =	vand.u32 $0xFF0, v5;
	v5 =	vor.u32 v0, v4;
	[tilespmem:v7+s19+$0x0] =	vst.idx.add.s32.msk $0xffff, v3  }
0xa4: {  	v6 =	vand.u32 $0xFF0, v6;
	v4 =	vor.u32 v2, v11;
	[tilespmem:v10+s20+$0x0] =	vst.idx.add.s32.msk $0xffff, v3  }
0xa5: {  	v6 =	vor.u32 v0, v6;
	[tilespmem:v12+s21+$0x0] =	vst.idx.add.s32.msk $0xffff, v3  }
0xa6: {  	[tilespmem:v9+s22+$0x0] =	vst.idx.add.s32.msk $0xffff, v3  }
0xa7: {  	v7 =	vld [tilespmem:s29+$0x4010];
	v8 =	vadd.f32 $1.000000000e+00, v8  }
0xa8: {  	v9 =	vld [tilespmem:s29+$0xC020]  }
0xa9: {  	v10 =	vld [tilespmem:s29+$0xC030];
	v8 =	vshrl.u32 v8, $0xB  }
0xaa: {  	v11 =	vld [tilespmem:s29+$0x4020];
	v8 =	vand.u32 $0xFF0, v8  }
0xab: {  	v12 =	vld [tilespmem:s29+$0x4030]  }
0xac: {  	v18 =	vld [tilespmem:s29+$0xC040];
	v7 =	vadd.f32 $1.000000000e+00, v7  }
.Ltmp2:
0xad: {  	v15 =	vld [tilespmem:s29+$0x4050];
	v9 =	vadd.f32 $1.000000000e+00, v9;
	(pc) =	sbr.rel @p0 .LBB2_7-.Ltmp2, $4  }
0xae: {  	v13 =	vor.u32 v0, v8;
	v14 =	vld [tilespmem:s29+$0x4060];
	v16 =	vadd.f32 $1.000000000e+00, v10;
	v17 =	vshrl.u32 v7, $0xB  }
0xaf: {  	v10 =	vld [tilespmem:s29+$0xC050];
	v8 =	vadd.f32 $1.000000000e+00, v11;
	v7 =	vshrl.u32 v9, $0xB;
	v9 =	vand.u32 $0xFF0, v17  }
0xb0: {  	v11 =	vld [tilespmem:s29+$0xC060];
	v17 =	vadd.f32 $1.000000000e+00, v12;
	v19 =	vshrl.u32 v16, $0xB;
	v12 =	vor.u32 v0, v9  }
0xb1: {  	s2 =	sadd.s32 $0x200, s2;
	v16 =	vld [tilespmem:s29+$0xC010];
	v9 =	vadd.f32 $1.000000000e+00, v18;
	v18 =	vshrl.u32 v8, $0xB;
	v8 =	vand.u32 $0xFF0, v19  }
0xb2: {  	v15 =	vadd.f32 $1.000000000e+00, v15;
	v17 =	vshrl.u32 v17, $0xB;
	v18 =	vand.u32 $0xFF0, v18  }
0xb3: {  	v14 =	vadd.f32 $1.000000000e+00, v14;
	v18 =	vor.u32 v0, v18;
	v17 =	vand.u32 $0xFF0, v17  }
0xb4: {  	v15 =	vshrl.u32 v15, $0xB;
	v17 =	vor.u32 v0, v17  }
0xb5: {  	v19 =	vld [tilespmem:s29+$0xC070];
	v14 =	vshrl.u32 v14, $0xB;
	v15 =	vand.u32 $0xFF0, v15  }
0xb6: {  	[tilespmem:v13+s19+$0x0] =	vst.idx.add.s32.msk $0xffff, v3;
	v60 =	vadd.f32 $1.000000000e+00, v16;
	v15 =	vor.u32 v0, v15;
	v14 =	vand.u32 $0xFF0, v14  }
0xb7: {  	[tilespmem:v12+s20+$0x0] =	vst.idx.add.s32.msk $0xffff, v3;
	v61 =	vor.u32 v0, v14  }
0xb8: {  	v13 =	vshrl.u32 v60, $0xB;
	[tilespmem:v18+s21+$0x0] =	vst.idx.add.s32.msk $0xffff, v3  }
0xb9: {  	v7 =	vand.u32 $0xFF0, v7;
	v13 =	vand.u32 $0xFF0, v13;
	[tilespmem:v17+s22+$0x0] =	vst.idx.add.s32.msk $0xffff, v3  }
0xba: {  	v8 =	vor.u32 v2, v8;
	v10 =	vadd.f32 $1.000000000e+00, v10;
	v13 =	vor.u32 v2, v13;
	[tilespmem:v6+s19+$0x0] =	vst.idx.add.s32.msk $0xffff, v3  }
0xbb: {  	v9 =	vshrl.u32 v9, $0xB;
	v7 =	vor.u32 v2, v7;
	v11 =	vadd.f32 $1.000000000e+00, v11;
	[tilespmem:v15+s20+$0x0] =	vst.idx.add.s32.msk $0xffff, v3  }
0xbc: {  	v9 =	vand.u32 $0xFF0, v9;
	v10 =	vshrl.u32 v10, $0xB;
	v62 =	vadd.f32 $1.000000000e+00, v19;
	[tilespmem:v61+s21+$0x0] =	vst.idx.add.s32.msk $0xffff, v3  }
0xbd: {  	v10 =	vand.u32 $0xFF0, v10;
	v11 =	vshrl.u32 v11, $0xB;
	[tilespmem:v5+s22+$0x0] =	vst.idx.add.s32.msk $0xffff, v3;
	v5 =	vor.u32 v2, v9  }
0xbe: {  	v63 =	vand.u32 $0xFF0, v11;
	v6 =	vshrl.u32 v62, $0xB;
	[tilespmem:v4+s19+$0x0] =	vst.idx.add.s32.msk $0xffff, v3;
	v4 =	vor.u32 v2, v10  }
0xbf: {  	s28 =	sadd.s32 $0x1, s28;
	v6 =	vand.u32 $0xFF0, v6;
	v9 =	vor.u32 v2, v63;
	[tilespmem:v13+s20+$0x0] =	vst.idx.add.s32.msk $0xffff, v3  }
0xc0: {  	p0 =	sne.s32 s28, $0xC;
	v6 =	vor.u32 v2, v6;
	[tilespmem:v7+s21+$0x0] =	vst.idx.add.s32.msk $0xffff, v3  }
.Ltmp3:
0xc1: {  	[tilespmem:v8+s22+$0x0] =	vst.idx.add.s32.msk $0xffff, v3;
	(pc) =	sbr.rel @p0 .LBB2_4-.Ltmp3, $4  }
0xc2: {  	[tilespmem:v5+s19+$0x0] =	vst.idx.add.s32.msk $0xffff, v3  }
0xc3: {  	[tilespmem:v4+s20+$0x0] =	vst.idx.add.s32.msk $0xffff, v3  }
0xc4: {  	[tilespmem:v9+s21+$0x0] =	vst.idx.add.s32.msk $0xffff, v3  }
0xc5: {  	[tilespmem:v6+s22+$0x0] =	vst.idx.add.s32.msk $0xffff, v3  }
0xc6: {  	[hbm4b:s9+s4] =	stream.linear.scatter [tilespmem:s19], [sflag:$0x5], $0x2000, $0x38;
	[tilespmem:$0x18000] =	vst v63  }
0xc7: {  	_ =	swait.ge [sflag:s25], $0x2000  }
0xc8: {  	[sflag:s25] =	ssyncset.done $0x0  }
0xc9: {  	[sflag:s25] =	ssyncadd.s32 $0xFFFFE000  }
0xca: {  	[hbm4b:s10+s4] =	stream.linear.scatter [tilespmem:s20], [sflag:$0x5], $0x2000, $0x38;
	[tilespmem:$0x18000] =	vst v63  }
0xcb: {  	_ =	swait.ge [sflag:s25], $0x2000  }
0xcc: {  	[sflag:s25] =	ssyncset.done $0x0  }
0xcd: {  	[sflag:s25] =	ssyncadd.s32 $0xFFFFE000  }
0xce: {  	[hbm4b:s11+s4] =	stream.linear.scatter [tilespmem:s21], [sflag:$0x5], $0x2000, $0x38;
	[tilespmem:$0x18000] =	vst v63  }
0xcf: {  	s26 =	sadd.s32 $0x1, s26;
	_ =	swait.ge [sflag:s25], $0x2000  }
0xd0: {  	p0 =	sne.s32 s26, s13;
	[sflag:s25] =	ssyncset.done $0x0  }
.Ltmp4:
0xd1: {  	[sflag:s25] =	ssyncadd.s32 $0xFFFFE000;
	(pc) =	sbr.rel @p0 .LBB2_1-.Ltmp4, $4  }
0xd2: {  	[hbm4b:s12+s4] =	stream.linear.scatter [tilespmem:s22], [sflag:$0x5], $0x2000, $0x38;
	[tilespmem:$0x18000] =	vst v63  }
0xd3: {  	_ =	swait.ge [sflag:s25], $0x2000  }
0xd4: {  	[sflag:s25] =	ssyncset.done $0x0  }
0xd5: {  	[sflag:s25] =	ssyncadd.s32 $0xFFFFE000  }
0xd6: {  	_ =	sfence.sel $0x180000  }
0xd7: {  	[bflag:$0x0] =	sbarrier.arrive $0xFFFF  }
0xd8: {  	_ =	strace $0x90000047  }
0xd9: {  	[bflag:$0x2] =	sbarrier.arrive $0xFFFF  }
0xda: {  	p0 =	sne.s32 s0, $0x0;
	s0 =	rddreg [dreg:$0x3]  }
0xdb: {  	s0 =	sadd.s32 @!p0 $0x100000, s0  }
0xdc: {  	[sflag:s0] =	ssyncadd.tile.s32 @!p0 $0x1;
	_ =	shalt  }
.Lfunc_end2:
_tile_overlayer_lowered:
.L_overlay_start_2:
0xdd: {  	(tag) =	ssettag $0x2  }
0xde: {  	s0 =	rddreg [dreg:$0x0];
	s2 =	stileid.u32  }
0xdf: {  	s1 =	rddreg [dreg:$0x1];
	p0 =	sne.s32 s2, $0x0  }
0xe0: {  	s3 =	rddreg [dreg:$0x2];
	[bflag:$0x3] =	sbarrier.arrive $0xFFFF;
	s2 =	simm.s32 @!p0 $0x1C05  }
0xe1: {  	[timem:s3], [sflag:s2] =	dma.local @!p0 [hbm:s0], s1  }
0xe2: {  	s0 =	simm.s32 @!p0 $0x5  }
0xe3: {  	_ =	swait.ge @!p0 [sflag:s0], s1  }
0xe4: {  	s1 =	ssub.s32 @!p0 $0x0, s1;
	[sflag:s0] =	ssyncset.done @!p0 $0x0  }
0xe5: {  	[sflag:s0] =	ssyncadd.s32 @!p0 s1  }
0xe6: {  	[bflag:$0x3] =	sbarrier.arrive $0xFFFF  }
0xe7: {  	_ =	shalt  }

</sc_bundles>
